<compile_context>
chip_gen: v7x
topology: tpu7x:2x2x1
jax: 0.10.2.dev20260603
libtpu: 0.0.44.dev20260713+nightly
codegen_flags: <defaults>
</compile_context>

<pallas_src>
import jax
import jax.numpy as jnp
from jax import lax
from jax.experimental import pallas as pl
from jax.experimental.pallas import tpu as pltpu
from jax.experimental.pallas import tpu_sc as plsc

_FEAT = 128
_BATCH = 16384
_LAMDA = 1.0
_SCALE = 1.0
_NC = 2
_NS = 16
_NW = _NC * _NS
_RPW = _BATCH // _NW
_CHUNK = 128
_NCHUNK = _RPW // _CHUNK
_LANES = 16
_JG = _FEAT // _LANES


def _sc_body(x_hbm, y_hbm, table_hbm, out_hbm,
             idx_v, feat_v, rows_v, acc_v,
             sem_f0, sem_f1, sem_g0, sem_g1, sem_g2, sem_g3):
  cid = lax.axis_index("c")
  sid = lax.axis_index("s")
  wid = cid * _NS + sid
  sem_g = (sem_g0, sem_g1, sem_g2, sem_g3)
  sem_f = (sem_f0, sem_f1)

  def start_feat(c):
    return pltpu.async_copy(x_hbm.at[wid, c], feat_v.at[c % 2], sem_f[c % 2])

  pf = start_feat(0)

  pltpu.sync_copy(y_hbm.at[wid, 0], idx_v.at[0])
  pg = [pltpu.async_copy(table_hbm.at[idx_v.at[0]], rows_v.at[0], sem_g[0])]
  pltpu.sync_copy(y_hbm.at[wid, pl.ds(1, _NCHUNK - 1)],
                  idx_v.at[pl.ds(1, _NCHUNK - 1)])

  pg += [pltpu.async_copy(table_hbm.at[idx_v.at[c]], rows_v.at[c], sem_g[c])
         for c in range(1, _NCHUNK)]

  accs = tuple(jnp.zeros((_LANES,), jnp.float32) for _ in range(_JG))
  for c in range(_NCHUNK):
    pf.wait()
    if c + 1 < _NCHUNK:
      pf = start_feat(c + 1)
    pg[c].wait()

    @plsc.parallel_loop(0, _CHUNK, carry=accs, unroll=16)
    def _row(r, a):
      out = []
      for j in range(_JG):
        d = (feat_v[c % 2, r, pl.ds(j * _LANES, _LANES)]
             - rows_v[c, r, pl.ds(j * _LANES, _LANES)])
        out.append(a[j] + d * d)
      return tuple(out)

    accs = _row

  total = accs[0]
  for j in range(1, _JG):
    total = total + accs[j]

  s = total[0]
  for i in range(1, _LANES):
    s = s + total[i]
  acc_v[...] = jnp.full((_LANES,), s, jnp.float32)
  pltpu.sync_copy(acc_v, out_hbm.at[wid])


def kernel(output_features, y_truth, feature_centers):
  x = output_features.reshape(_NW, _NCHUNK, _CHUNK, _FEAT)
  y = y_truth.astype(jnp.int32).reshape(_NW, _NCHUNK, _CHUNK)

  mesh = plsc.VectorSubcoreMesh(core_axis_name="c", subcore_axis_name="s")
  out = pl.kernel(
      _sc_body,
      out_type=jax.ShapeDtypeStruct((_NW, _LANES), jnp.float32),
      mesh=mesh,
      scratch_types=[
          pltpu.VMEM((_NCHUNK, _CHUNK), jnp.int32),
          pltpu.VMEM((2, _CHUNK, _FEAT), jnp.float32),
          pltpu.VMEM((_NCHUNK, _CHUNK, _FEAT), jnp.float32),
          pltpu.VMEM((_LANES,), jnp.float32),
          pltpu.SemaphoreType.DMA,
          pltpu.SemaphoreType.DMA,
          pltpu.SemaphoreType.DMA,
          pltpu.SemaphoreType.DMA,
          pltpu.SemaphoreType.DMA,
          pltpu.SemaphoreType.DMA,
      ],
  )(x, y, feature_centers)

  factor = _LAMDA * 0.5 * _SCALE / _BATCH
  return jnp.sum(out[:, 0]) * jnp.float32(factor)

# --- scband reference (transcript-rebuilt; emitter-appended) ---
"""Pipeline reference for scband-center-loss-47802986004806 (READ-ONLY COPY).

The authoritative reference and input builder live on the scoring server;
editing this copy changes nothing except your own understanding.
"""

import jax, jax.numpy as jnp
import numpy as np

NUM_CLASS = 100000
FEAT_DIM = 128
BATCH = 16384
LAMDA = 1.0
SCALE = 1.0


def setup_inputs(seed: int = 0) -> dict:
    key = jax.random.key(seed)
    k1, k2, k3 = jax.random.split(key, 3)
    output_features = jax.random.normal(k1, (BATCH, FEAT_DIM), dtype=jnp.float32)
    y_truth = jax.random.randint(k2, (BATCH,), 0, NUM_CLASS, dtype=jnp.int64)
    feature_centers = jax.random.normal(k3, (NUM_CLASS, FEAT_DIM), dtype=jnp.float32)
    return {"output_features": output_features, "y_truth": y_truth, "feature_centers": feature_centers}


def reference(output_features, y_truth, feature_centers):
    batch_size = y_truth.shape[0]
    x = output_features.reshape(batch_size, -1)
    factor = SCALE / batch_size
    centers_batch = jnp.take(feature_centers, y_truth.astype(jnp.int32), axis=0)
    diff = x - centers_batch
    loss = LAMDA * 0.5 * factor * jnp.sum(diff ** 2)
    return loss

if __name__ == "__main__":
    import jax
    _d = setup_inputs()
    print(jax.jit(kernel)(*tuple(_d.values())))

</pallas_src>

<mosaic_0001>
#map = affine_map<(d0, d1) -> (0, 0, 0, 0)>
#map1 = affine_map<(d0, d1) -> (0, 0, 0)>
#map2 = affine_map<(d0, d1) -> (0, 0)>
module attributes {stable_mosaic.version = 14 : i64} {
  func.func @_sc_body(%arg0: i32, %arg1: i32, %arg2: memref<32x4x128x128xf32, #tpu.memory_space<hbm>>, %arg3: memref<32x4x128xi32, #tpu.memory_space<hbm>>, %arg4: memref<100000x128xf32, #tpu.memory_space<hbm>>, %arg5: memref<32x16xf32, #tpu.memory_space<hbm>>, %arg6: memref<4x128xi32, #tpu.memory_space<vmem>>, %arg7: memref<2x128x128xf32, #tpu.memory_space<vmem>>, %arg8: memref<4x128x128xf32, #tpu.memory_space<vmem>>, %arg9: memref<16xf32, #tpu.memory_space<vmem>>, %arg10: memref<!tpu.dma_semaphore, #tpu.memory_space<semaphore_mem>>, %arg11: memref<!tpu.dma_semaphore, #tpu.memory_space<semaphore_mem>>, %arg12: memref<!tpu.dma_semaphore, #tpu.memory_space<semaphore_mem>>, %arg13: memref<!tpu.dma_semaphore, #tpu.memory_space<semaphore_mem>>, %arg14: memref<!tpu.dma_semaphore, #tpu.memory_space<semaphore_mem>>, %arg15: memref<!tpu.dma_semaphore, #tpu.memory_space<semaphore_mem>>) attributes {dimension_semantics = [#tpu.dimension_semantics<core_parallel>, #tpu.dimension_semantics<subcore_parallel>], iteration_bounds = array<i64: 2, 16>, scalar_prefetch = 0 : i64, scratch_operands = 10 : i64, tpu.core_type = #tpu.core_type<sc_vector_subcore>, window_params = [{transform_indices = #map}, {transform_indices = #map1}, {transform_indices = #map2}, {transform_indices = #map2}]} {
    %mul3A = arith.constant 16 : i32
    %mul3A_0 = arith.muli %arg0, %mul3A : i32
    %add3A = arith.addi %mul3A_0, %arg1 : i32
    %dma_start3A = arith.constant 0 : i32
    %dma_start3A_1 = arith.constant 0 : i32
    %dma_start3A_2 = arith.constant 0 : i32
    %dma_start3A_3 = arith.constant 0 : i32
    %dma_start3A_4 = tpu.memref_slice %arg7[%dma_start3A_1, %dma_start3A_2, %dma_start3A_3] : memref<2x128x128xf32, #tpu.memory_space<vmem>> -> memref<1x128x128xf32, #tpu.memory_space<vmem>>
    %dma_start3A_5 = tpu.memref_squeeze %dma_start3A_4 : memref<1x128x128xf32, #tpu.memory_space<vmem>> -> memref<128x128xf32, #tpu.memory_space<vmem>>
    %dma_start3A_6 = arith.constant 0 : i32
    %dma_start3A_7 = arith.constant 0 : i32
    %dma_start3A_8 = tpu.memref_slice %arg2[%add3A, %dma_start3A, %dma_start3A_6, %dma_start3A_7] : memref<32x4x128x128xf32, #tpu.memory_space<hbm>> -> memref<1x1x128x128xf32, #tpu.memory_space<hbm>>
    %dma_start3A_9 = tpu.memref_squeeze %dma_start3A_8 : memref<1x1x128x128xf32, #tpu.memory_space<hbm>> -> memref<128x128xf32, #tpu.memory_space<hbm>>
    %dma_start3A_10 = arith.constant 0 : i32
    %dma_start3A_11 = arith.constant 0 : i32
    %dma_start3A_12 = tpu.memref_slice %arg7[%dma_start3A_1, %dma_start3A_10, %dma_start3A_11] : memref<2x128x128xf32, #tpu.memory_space<vmem>> -> memref<1x128x128xf32, #tpu.memory_space<vmem>>
    %dma_start3A_13 = tpu.memref_squeeze %dma_start3A_12 : memref<1x128x128xf32, #tpu.memory_space<vmem>> -> memref<128x128xf32, #tpu.memory_space<vmem>>
    %dma_start3A_14 = arith.constant 0 : i32
    %dma_start3A_15 = arith.constant 0 : i32
    %dma_start3A_16 = tpu.memref_slice %arg2[%add3A, %dma_start3A, %dma_start3A_14, %dma_start3A_15] : memref<32x4x128x128xf32, #tpu.memory_space<hbm>> -> memref<1x1x128x128xf32, #tpu.memory_space<hbm>>
    %dma_start3A_17 = tpu.memref_squeeze %dma_start3A_16 : memref<1x1x128x128xf32, #tpu.memory_space<hbm>> -> memref<128x128xf32, #tpu.memory_space<hbm>>
    tpu.enqueue_dma source(%dma_start3A_17 : memref<128x128xf32, #tpu.memory_space<hbm>>) target(%dma_start3A_13 : memref<128x128xf32, #tpu.memory_space<vmem>>) target_semaphore(%arg10 : memref<!tpu.dma_semaphore, #tpu.memory_space<semaphore_mem>>)
    %run_scoped3A = arith.constant 0 : i32
    %run_scoped3A_18 = arith.constant 0 : i32
    "tpu.region"() ({
      %run_scoped3A_326 = tpu.sem_alloc : memref<!tpu.dma_semaphore, #tpu.memory_space<semaphore_mem>>
      %dma_start3A_327 = arith.constant 0 : i32
      %dma_start3A_328 = tpu.memref_slice %arg6[%run_scoped3A_18, %dma_start3A_327] : memref<4x128xi32, #tpu.memory_space<vmem>> -> memref<1x128xi32, #tpu.memory_space<vmem>>
      %dma_start3A_329 = tpu.memref_squeeze %dma_start3A_328 : memref<1x128xi32, #tpu.memory_space<vmem>> -> memref<128xi32, #tpu.memory_space<vmem>>
      %dma_start3A_330 = arith.constant 0 : i32
      %dma_start3A_331 = tpu.memref_slice %arg3[%add3A, %run_scoped3A, %dma_start3A_330] : memref<32x4x128xi32, #tpu.memory_space<hbm>> -> memref<1x1x128xi32, #tpu.memory_space<hbm>>
      %dma_start3A_332 = tpu.memref_squeeze %dma_start3A_331 : memref<1x1x128xi32, #tpu.memory_space<hbm>> -> memref<128xi32, #tpu.memory_space<hbm>>
      %dma_start3A_333 = arith.constant 0 : i32
      %dma_start3A_334 = tpu.memref_slice %arg6[%run_scoped3A_18, %dma_start3A_333] : memref<4x128xi32, #tpu.memory_space<vmem>> -> memref<1x128xi32, #tpu.memory_space<vmem>>
      %dma_start3A_335 = tpu.memref_squeeze %dma_start3A_334 : memref<1x128xi32, #tpu.memory_space<vmem>> -> memref<128xi32, #tpu.memory_space<vmem>>
      %dma_start3A_336 = arith.constant 0 : i32
      %dma_start3A_337 = tpu.memref_slice %arg3[%add3A, %run_scoped3A, %dma_start3A_336] : memref<32x4x128xi32, #tpu.memory_space<hbm>> -> memref<1x1x128xi32, #tpu.memory_space<hbm>>
      %dma_start3A_338 = tpu.memref_squeeze %dma_start3A_337 : memref<1x1x128xi32, #tpu.memory_space<hbm>> -> memref<128xi32, #tpu.memory_space<hbm>>
      tpu.enqueue_dma source(%dma_start3A_338 : memref<128xi32, #tpu.memory_space<hbm>>) target(%dma_start3A_335 : memref<128xi32, #tpu.memory_space<vmem>>) target_semaphore(%run_scoped3A_326 : memref<!tpu.dma_semaphore, #tpu.memory_space<semaphore_mem>>)
      %dma_wait3A_339 = arith.constant 0 : i32
      %dma_wait3A_340 = tpu.memref_slice %arg6[%run_scoped3A_18, %dma_wait3A_339] : memref<4x128xi32, #tpu.memory_space<vmem>> -> memref<1x128xi32, #tpu.memory_space<vmem>>
      %dma_wait3A_341 = tpu.memref_squeeze %dma_wait3A_340 : memref<1x128xi32, #tpu.memory_space<vmem>> -> memref<128xi32, #tpu.memory_space<vmem>>
      %dma_wait3A_342 = arith.constant 0 : i32
      %dma_wait3A_343 = tpu.memref_slice %arg3[%add3A, %run_scoped3A, %dma_wait3A_342] : memref<32x4x128xi32, #tpu.memory_space<hbm>> -> memref<1x1x128xi32, #tpu.memory_space<hbm>>
      %dma_wait3A_344 = tpu.memref_squeeze %dma_wait3A_343 : memref<1x1x128xi32, #tpu.memory_space<hbm>> -> memref<128xi32, #tpu.memory_space<hbm>>
      %dma_wait3A_345 = arith.constant 0 : i32
      %dma_wait3A_346 = tpu.memref_slice %arg6[%run_scoped3A_18, %dma_wait3A_345] : memref<4x128xi32, #tpu.memory_space<vmem>> -> memref<1x128xi32, #tpu.memory_space<vmem>>
      %dma_wait3A_347 = tpu.memref_squeeze %dma_wait3A_346 : memref<1x128xi32, #tpu.memory_space<vmem>> -> memref<128xi32, #tpu.memory_space<vmem>>
      %dma_wait3A_348 = arith.constant 0 : i32
      %dma_wait3A_349 = tpu.memref_slice %arg3[%add3A, %run_scoped3A, %dma_wait3A_348] : memref<32x4x128xi32, #tpu.memory_space<hbm>> -> memref<1x1x128xi32, #tpu.memory_space<hbm>>
      %dma_wait3A_350 = tpu.memref_squeeze %dma_wait3A_349 : memref<1x1x128xi32, #tpu.memory_space<hbm>> -> memref<128xi32, #tpu.memory_space<hbm>>
      tpu.wait_dma2 semaphore(%run_scoped3A_326 : memref<!tpu.dma_semaphore, #tpu.memory_space<semaphore_mem>>) src(%dma_wait3A_350 : memref<128xi32, #tpu.memory_space<hbm>>) dst(%dma_wait3A_347 : memref<128xi32, #tpu.memory_space<vmem>>)
      tpu.yield
    }) : () -> ()
    %dma_start3A_19 = arith.constant 0 : i32
    %dma_start3A_20 = arith.constant 0 : i32
    %dma_start3A_21 = arith.constant 0 : i32
    %dma_start3A_22 = arith.constant 0 : i32
    %dma_start3A_23 = tpu.memref_slice %arg8[%dma_start3A_20, %dma_start3A_21, %dma_start3A_22] : memref<4x128x128xf32, #tpu.memory_space<vmem>> -> memref<1x128x128xf32, #tpu.memory_space<vmem>>
    %dma_start3A_24 = tpu.memref_squeeze %dma_start3A_23 : memref<1x128x128xf32, #tpu.memory_space<vmem>> -> memref<128x128xf32, #tpu.memory_space<vmem>>
    %dma_start3A_25 = arith.constant 0 : i32
    %dma_start3A_26 = tpu.memref_slice %arg6[%dma_start3A_19, %dma_start3A_25] : memref<4x128xi32, #tpu.memory_space<vmem>> -> memref<1x128xi32, #tpu.memory_space<vmem>>
    %dma_start3A_27 = tpu.memref_squeeze %dma_start3A_26 : memref<1x128xi32, #tpu.memory_space<vmem>> -> memref<128xi32, #tpu.memory_space<vmem>>
    %dma_start3A_28 = arith.constant 0 : i32
    %dma_start3A_29 = arith.constant 0 : i32
    %dma_start3A_30 = tpu.memref_slice %arg4[%dma_start3A_28, %dma_start3A_29] : memref<100000x128xf32, #tpu.memory_space<hbm>> -> memref<100000x128xf32, #tpu.memory_space<hbm>>
    tpu.enqueue_indirect_dma source(%dma_start3A_30 : memref<100000x128xf32, #tpu.memory_space<hbm>>) target(%dma_start3A_24 : memref<128x128xf32, #tpu.memory_space<vmem>>) offsets(%dma_start3A_27 : memref<128xi32, #tpu.memory_space<vmem>>) semaphore(%arg12 : memref<!tpu.dma_semaphore, #tpu.memory_space<semaphore_mem>>)
    "tpu.region"() ({
      %run_scoped3A_326 = tpu.sem_alloc : memref<!tpu.dma_semaphore, #tpu.memory_space<semaphore_mem>>
      %dma_start3A_327 = arith.constant 1 : i32
      %dma_start3A_328 = arith.constant 0 : i32
      %dma_start3A_329 = tpu.memref_slice %arg6[%dma_start3A_327, %dma_start3A_328] : memref<4x128xi32, #tpu.memory_space<vmem>> -> memref<3x128xi32, #tpu.memory_space<vmem>>
      %dma_start3A_330 = arith.constant 1 : i32
      %dma_start3A_331 = arith.constant 0 : i32
      %dma_start3A_332 = tpu.memref_slice %arg3[%add3A, %dma_start3A_330, %dma_start3A_331] : memref<32x4x128xi32, #tpu.memory_space<hbm>> -> memref<1x3x128xi32, #tpu.memory_space<hbm>>
      %dma_start3A_333 = tpu.memref_squeeze %dma_start3A_332 : memref<1x3x128xi32, #tpu.memory_space<hbm>> -> memref<3x128xi32, #tpu.memory_space<hbm>>
      %dma_start3A_334 = arith.constant 1 : i32
      %dma_start3A_335 = arith.constant 0 : i32
      %dma_start3A_336 = tpu.memref_slice %arg6[%dma_start3A_334, %dma_start3A_335] : memref<4x128xi32, #tpu.memory_space<vmem>> -> memref<3x128xi32, #tpu.memory_space<vmem>>
      %dma_start3A_337 = arith.constant 1 : i32
      %dma_start3A_338 = arith.constant 0 : i32
      %dma_start3A_339 = tpu.memref_slice %arg3[%add3A, %dma_start3A_337, %dma_start3A_338] : memref<32x4x128xi32, #tpu.memory_space<hbm>> -> memref<1x3x128xi32, #tpu.memory_space<hbm>>
      %dma_start3A_340 = tpu.memref_squeeze %dma_start3A_339 : memref<1x3x128xi32, #tpu.memory_space<hbm>> -> memref<3x128xi32, #tpu.memory_space<hbm>>
      tpu.enqueue_dma source(%dma_start3A_340 : memref<3x128xi32, #tpu.memory_space<hbm>>) target(%dma_start3A_336 : memref<3x128xi32, #tpu.memory_space<vmem>>) target_semaphore(%run_scoped3A_326 : memref<!tpu.dma_semaphore, #tpu.memory_space<semaphore_mem>>)
      %dma_wait3A_341 = arith.constant 1 : i32
      %dma_wait3A_342 = arith.constant 0 : i32
      %dma_wait3A_343 = tpu.memref_slice %arg6[%dma_wait3A_341, %dma_wait3A_342] : memref<4x128xi32, #tpu.memory_space<vmem>> -> memref<3x128xi32, #tpu.memory_space<vmem>>
      %dma_wait3A_344 = arith.constant 1 : i32
      %dma_wait3A_345 = arith.constant 0 : i32
      %dma_wait3A_346 = tpu.memref_slice %arg3[%add3A, %dma_wait3A_344, %dma_wait3A_345] : memref<32x4x128xi32, #tpu.memory_space<hbm>> -> memref<1x3x128xi32, #tpu.memory_space<hbm>>
      %dma_wait3A_347 = tpu.memref_squeeze %dma_wait3A_346 : memref<1x3x128xi32, #tpu.memory_space<hbm>> -> memref<3x128xi32, #tpu.memory_space<hbm>>
      %dma_wait3A_348 = arith.constant 1 : i32
      %dma_wait3A_349 = arith.constant 0 : i32
      %dma_wait3A_350 = tpu.memref_slice %arg6[%dma_wait3A_348, %dma_wait3A_349] : memref<4x128xi32, #tpu.memory_space<vmem>> -> memref<3x128xi32, #tpu.memory_space<vmem>>
      %dma_wait3A_351 = arith.constant 1 : i32
      %dma_wait3A_352 = arith.constant 0 : i32
      %dma_wait3A_353 = tpu.memref_slice %arg3[%add3A, %dma_wait3A_351, %dma_wait3A_352] : memref<32x4x128xi32, #tpu.memory_space<hbm>> -> memref<1x3x128xi32, #tpu.memory_space<hbm>>
      %dma_wait3A_354 = tpu.memref_squeeze %dma_wait3A_353 : memref<1x3x128xi32, #tpu.memory_space<hbm>> -> memref<3x128xi32, #tpu.memory_space<hbm>>
      tpu.wait_dma2 semaphore(%run_scoped3A_326 : memref<!tpu.dma_semaphore, #tpu.memory_space<semaphore_mem>>) src(%dma_wait3A_354 : memref<3x128xi32, #tpu.memory_space<hbm>>) dst(%dma_wait3A_350 : memref<3x128xi32, #tpu.memory_space<vmem>>)
      tpu.yield
    }) : () -> ()
    %dma_start3A_31 = arith.constant 1 : i32
    %dma_start3A_32 = arith.constant 1 : i32
    %dma_start3A_33 = arith.constant 0 : i32
    %dma_start3A_34 = arith.constant 0 : i32
    %dma_start3A_35 = tpu.memref_slice %arg8[%dma_start3A_32, %dma_start3A_33, %dma_start3A_34] : memref<4x128x128xf32, #tpu.memory_space<vmem>> -> memref<1x128x128xf32, #tpu.memory_space<vmem>>
    %dma_start3A_36 = tpu.memref_squeeze %dma_start3A_35 : memref<1x128x128xf32, #tpu.memory_space<vmem>> -> memref<128x128xf32, #tpu.memory_space<vmem>>
    %dma_start3A_37 = arith.constant 0 : i32
    %dma_start3A_38 = tpu.memref_slice %arg6[%dma_start3A_31, %dma_start3A_37] : memref<4x128xi32, #tpu.memory_space<vmem>> -> memref<1x128xi32, #tpu.memory_space<vmem>>
    %dma_start3A_39 = tpu.memref_squeeze %dma_start3A_38 : memref<1x128xi32, #tpu.memory_space<vmem>> -> memref<128xi32, #tpu.memory_space<vmem>>
    %dma_start3A_40 = arith.constant 0 : i32
    %dma_start3A_41 = arith.constant 0 : i32
    %dma_start3A_42 = tpu.memref_slice %arg4[%dma_start3A_40, %dma_start3A_41] : memref<100000x128xf32, #tpu.memory_space<hbm>> -> memref<100000x128xf32, #tpu.memory_space<hbm>>
    tpu.enqueue_indirect_dma source(%dma_start3A_42 : memref<100000x128xf32, #tpu.memory_space<hbm>>) target(%dma_start3A_36 : memref<128x128xf32, #tpu.memory_space<vmem>>) offsets(%dma_start3A_39 : memref<128xi32, #tpu.memory_space<vmem>>) semaphore(%arg13 : memref<!tpu.dma_semaphore, #tpu.memory_space<semaphore_mem>>)
    %dma_start3A_43 = arith.constant 2 : i32
    %dma_start3A_44 = arith.constant 2 : i32
    %dma_start3A_45 = arith.constant 0 : i32
    %dma_start3A_46 = arith.constant 0 : i32
    %dma_start3A_47 = tpu.memref_slice %arg8[%dma_start3A_44, %dma_start3A_45, %dma_start3A_46] : memref<4x128x128xf32, #tpu.memory_space<vmem>> -> memref<1x128x128xf32, #tpu.memory_space<vmem>>
    %dma_start3A_48 = tpu.memref_squeeze %dma_start3A_47 : memref<1x128x128xf32, #tpu.memory_space<vmem>> -> memref<128x128xf32, #tpu.memory_space<vmem>>
    %dma_start3A_49 = arith.constant 0 : i32
    %dma_start3A_50 = tpu.memref_slice %arg6[%dma_start3A_43, %dma_start3A_49] : memref<4x128xi32, #tpu.memory_space<vmem>> -> memref<1x128xi32, #tpu.memory_space<vmem>>
    %dma_start3A_51 = tpu.memref_squeeze %dma_start3A_50 : memref<1x128xi32, #tpu.memory_space<vmem>> -> memref<128xi32, #tpu.memory_space<vmem>>
    %dma_start3A_52 = arith.constant 0 : i32
    %dma_start3A_53 = arith.constant 0 : i32
    %dma_start3A_54 = tpu.memref_slice %arg4[%dma_start3A_52, %dma_start3A_53] : memref<100000x128xf32, #tpu.memory_space<hbm>> -> memref<100000x128xf32, #tpu.memory_space<hbm>>
    tpu.enqueue_indirect_dma source(%dma_start3A_54 : memref<100000x128xf32, #tpu.memory_space<hbm>>) target(%dma_start3A_48 : memref<128x128xf32, #tpu.memory_space<vmem>>) offsets(%dma_start3A_51 : memref<128xi32, #tpu.memory_space<vmem>>) semaphore(%arg14 : memref<!tpu.dma_semaphore, #tpu.memory_space<semaphore_mem>>)
    %dma_start3A_55 = arith.constant 3 : i32
    %dma_start3A_56 = arith.constant 3 : i32
    %dma_start3A_57 = arith.constant 0 : i32
    %dma_start3A_58 = arith.constant 0 : i32
    %dma_start3A_59 = tpu.memref_slice %arg8[%dma_start3A_56, %dma_start3A_57, %dma_start3A_58] : memref<4x128x128xf32, #tpu.memory_space<vmem>> -> memref<1x128x128xf32, #tpu.memory_space<vmem>>
    %dma_start3A_60 = tpu.memref_squeeze %dma_start3A_59 : memref<1x128x128xf32, #tpu.memory_space<vmem>> -> memref<128x128xf32, #tpu.memory_space<vmem>>
    %dma_start3A_61 = arith.constant 0 : i32
    %dma_start3A_62 = tpu.memref_slice %arg6[%dma_start3A_55, %dma_start3A_61] : memref<4x128xi32, #tpu.memory_space<vmem>> -> memref<1x128xi32, #tpu.memory_space<vmem>>
    %dma_start3A_63 = tpu.memref_squeeze %dma_start3A_62 : memref<1x128xi32, #tpu.memory_space<vmem>> -> memref<128xi32, #tpu.memory_space<vmem>>
    %dma_start3A_64 = arith.constant 0 : i32
    %dma_start3A_65 = arith.constant 0 : i32
    %dma_start3A_66 = tpu.memref_slice %arg4[%dma_start3A_64, %dma_start3A_65] : memref<100000x128xf32, #tpu.memory_space<hbm>> -> memref<100000x128xf32, #tpu.memory_space<hbm>>
    tpu.enqueue_indirect_dma source(%dma_start3A_66 : memref<100000x128xf32, #tpu.memory_space<hbm>>) target(%dma_start3A_60 : memref<128x128xf32, #tpu.memory_space<vmem>>) offsets(%dma_start3A_63 : memref<128xi32, #tpu.memory_space<vmem>>) semaphore(%arg15 : memref<!tpu.dma_semaphore, #tpu.memory_space<semaphore_mem>>)
    %broadcast_in_dim3A = arith.constant 0.000000e+00 : f32
    %broadcast_in_dim3A_67 = vector.broadcast %broadcast_in_dim3A : f32 to vector<16xf32>
    %broadcast_in_dim3A_68 = arith.constant 0.000000e+00 : f32
    %broadcast_in_dim3A_69 = vector.broadcast %broadcast_in_dim3A_68 : f32 to vector<16xf32>
    %broadcast_in_dim3A_70 = arith.constant 0.000000e+00 : f32
    %broadcast_in_dim3A_71 = vector.broadcast %broadcast_in_dim3A_70 : f32 to vector<16xf32>
    %broadcast_in_dim3A_72 = arith.constant 0.000000e+00 : f32
    %broadcast_in_dim3A_73 = vector.broadcast %broadcast_in_dim3A_72 : f32 to vector<16xf32>
    %broadcast_in_dim3A_74 = arith.constant 0.000000e+00 : f32
    %broadcast_in_dim3A_75 = vector.broadcast %broadcast_in_dim3A_74 : f32 to vector<16xf32>
    %broadcast_in_dim3A_76 = arith.constant 0.000000e+00 : f32
    %broadcast_in_dim3A_77 = vector.broadcast %broadcast_in_dim3A_76 : f32 to vector<16xf32>
    %broadcast_in_dim3A_78 = arith.constant 0.000000e+00 : f32
    %broadcast_in_dim3A_79 = vector.broadcast %broadcast_in_dim3A_78 : f32 to vector<16xf32>
    %broadcast_in_dim3A_80 = arith.constant 0.000000e+00 : f32
    %broadcast_in_dim3A_81 = vector.broadcast %broadcast_in_dim3A_80 : f32 to vector<16xf32>
    %dma_wait3A = arith.constant 0 : i32
    %dma_wait3A_82 = arith.constant 0 : i32
    %dma_wait3A_83 = arith.constant 0 : i32
    %dma_wait3A_84 = arith.constant 0 : i32
    %dma_wait3A_85 = tpu.memref_slice %arg7[%dma_wait3A_82, %dma_wait3A_83, %dma_wait3A_84] : memref<2x128x128xf32, #tpu.memory_space<vmem>> -> memref<1x128x128xf32, #tpu.memory_space<vmem>>
    %dma_wait3A_86 = tpu.memref_squeeze %dma_wait3A_85 : memref<1x128x128xf32, #tpu.memory_space<vmem>> -> memref<128x128xf32, #tpu.memory_space<vmem>>
    %dma_wait3A_87 = arith.constant 0 : i32
    %dma_wait3A_88 = arith.constant 0 : i32
    %dma_wait3A_89 = tpu.memref_slice %arg2[%add3A, %dma_wait3A, %dma_wait3A_87, %dma_wait3A_88] : memref<32x4x128x128xf32, #tpu.memory_space<hbm>> -> memref<1x1x128x128xf32, #tpu.memory_space<hbm>>
    %dma_wait3A_90 = tpu.memref_squeeze %dma_wait3A_89 : memref<1x1x128x128xf32, #tpu.memory_space<hbm>> -> memref<128x128xf32, #tpu.memory_space<hbm>>
    %dma_wait3A_91 = arith.constant 0 : i32
    %dma_wait3A_92 = arith.constant 0 : i32
    %dma_wait3A_93 = tpu.memref_slice %arg7[%dma_wait3A_82, %dma_wait3A_91, %dma_wait3A_92] : memref<2x128x128xf32, #tpu.memory_space<vmem>> -> memref<1x128x128xf32, #tpu.memory_space<vmem>>
    %dma_wait3A_94 = tpu.memref_squeeze %dma_wait3A_93 : memref<1x128x128xf32, #tpu.memory_space<vmem>> -> memref<128x128xf32, #tpu.memory_space<vmem>>
    %dma_wait3A_95 = arith.constant 0 : i32
    %dma_wait3A_96 = arith.constant 0 : i32
    %dma_wait3A_97 = tpu.memref_slice %arg2[%add3A, %dma_wait3A, %dma_wait3A_95, %dma_wait3A_96] : memref<32x4x128x128xf32, #tpu.memory_space<hbm>> -> memref<1x1x128x128xf32, #tpu.memory_space<hbm>>
    %dma_wait3A_98 = tpu.memref_squeeze %dma_wait3A_97 : memref<1x1x128x128xf32, #tpu.memory_space<hbm>> -> memref<128x128xf32, #tpu.memory_space<hbm>>
    tpu.wait_dma2 semaphore(%arg10 : memref<!tpu.dma_semaphore, #tpu.memory_space<semaphore_mem>>) src(%dma_wait3A_98 : memref<128x128xf32, #tpu.memory_space<hbm>>) dst(%dma_wait3A_94 : memref<128x128xf32, #tpu.memory_space<vmem>>)
    %dma_start3A_99 = arith.constant 1 : i32
    %dma_start3A_100 = arith.constant 1 : i32
    %dma_start3A_101 = arith.constant 0 : i32
    %dma_start3A_102 = arith.constant 0 : i32
    %dma_start3A_103 = tpu.memref_slice %arg7[%dma_start3A_100, %dma_start3A_101, %dma_start3A_102] : memref<2x128x128xf32, #tpu.memory_space<vmem>> -> memref<1x128x128xf32, #tpu.memory_space<vmem>>
    %dma_start3A_104 = tpu.memref_squeeze %dma_start3A_103 : memref<1x128x128xf32, #tpu.memory_space<vmem>> -> memref<128x128xf32, #tpu.memory_space<vmem>>
    %dma_start3A_105 = arith.constant 0 : i32
    %dma_start3A_106 = arith.constant 0 : i32
    %dma_start3A_107 = tpu.memref_slice %arg2[%add3A, %dma_start3A_99, %dma_start3A_105, %dma_start3A_106] : memref<32x4x128x128xf32, #tpu.memory_space<hbm>> -> memref<1x1x128x128xf32, #tpu.memory_space<hbm>>
    %dma_start3A_108 = tpu.memref_squeeze %dma_start3A_107 : memref<1x1x128x128xf32, #tpu.memory_space<hbm>> -> memref<128x128xf32, #tpu.memory_space<hbm>>
    %dma_start3A_109 = arith.constant 0 : i32
    %dma_start3A_110 = arith.constant 0 : i32
    %dma_start3A_111 = tpu.memref_slice %arg7[%dma_start3A_100, %dma_start3A_109, %dma_start3A_110] : memref<2x128x128xf32, #tpu.memory_space<vmem>> -> memref<1x128x128xf32, #tpu.memory_space<vmem>>
    %dma_start3A_112 = tpu.memref_squeeze %dma_start3A_111 : memref<1x128x128xf32, #tpu.memory_space<vmem>> -> memref<128x128xf32, #tpu.memory_space<vmem>>
    %dma_start3A_113 = arith.constant 0 : i32
    %dma_start3A_114 = arith.constant 0 : i32
    %dma_start3A_115 = tpu.memref_slice %arg2[%add3A, %dma_start3A_99, %dma_start3A_113, %dma_start3A_114] : memref<32x4x128x128xf32, #tpu.memory_space<hbm>> -> memref<1x1x128x128xf32, #tpu.memory_space<hbm>>
    %dma_start3A_116 = tpu.memref_squeeze %dma_start3A_115 : memref<1x1x128x128xf32, #tpu.memory_space<hbm>> -> memref<128x128xf32, #tpu.memory_space<hbm>>
    tpu.enqueue_dma source(%dma_start3A_116 : memref<128x128xf32, #tpu.memory_space<hbm>>) target(%dma_start3A_112 : memref<128x128xf32, #tpu.memory_space<vmem>>) target_semaphore(%arg11 : memref<!tpu.dma_semaphore, #tpu.memory_space<semaphore_mem>>)
    %dma_wait3A_117 = arith.constant 0 : i32
    %dma_wait3A_118 = arith.constant 0 : i32
    %dma_wait3A_119 = arith.constant 0 : i32
    %dma_wait3A_120 = arith.constant 0 : i32
    %dma_wait3A_121 = tpu.memref_slice %arg8[%dma_wait3A_118, %dma_wait3A_119, %dma_wait3A_120] : memref<4x128x128xf32, #tpu.memory_space<vmem>> -> memref<1x128x128xf32, #tpu.memory_space<vmem>>
    %dma_wait3A_122 = tpu.memref_squeeze %dma_wait3A_121 : memref<1x128x128xf32, #tpu.memory_space<vmem>> -> memref<128x128xf32, #tpu.memory_space<vmem>>
    %dma_wait3A_123 = arith.constant 0 : i32
    %dma_wait3A_124 = tpu.memref_slice %arg6[%dma_wait3A_117, %dma_wait3A_123] : memref<4x128xi32, #tpu.memory_space<vmem>> -> memref<1x128xi32, #tpu.memory_space<vmem>>
    %dma_wait3A_125 = tpu.memref_squeeze %dma_wait3A_124 : memref<1x128xi32, #tpu.memory_space<vmem>> -> memref<128xi32, #tpu.memory_space<vmem>>
    %dma_wait3A_126 = arith.constant 0 : i32
    %dma_wait3A_127 = arith.constant 0 : i32
    %dma_wait3A_128 = tpu.memref_slice %arg4[%dma_wait3A_126, %dma_wait3A_127] : memref<100000x128xf32, #tpu.memory_space<hbm>> -> memref<100000x128xf32, #tpu.memory_space<hbm>>
    tpu.wait_indirect_dma semaphore(%arg12 : memref<!tpu.dma_semaphore, #tpu.memory_space<semaphore_mem>>) src(%dma_wait3A_128 : memref<100000x128xf32, #tpu.memory_space<hbm>>) dst(%dma_wait3A_122 : memref<128x128xf32, #tpu.memory_space<vmem>>)
    %parallel_loop3A = arith.constant 0 : i32
    %parallel_loop3A_129 = arith.constant 128 : i32
    %parallel_loop3A_130 = arith.constant 1 : i32
    %parallel_loop3A_131:8 = scf.for %parallel_loop3A_326 = %parallel_loop3A to %parallel_loop3A_129 step %parallel_loop3A_130 iter_args(%parallel_loop3A_327 = %broadcast_in_dim3A_67, %parallel_loop3A_328 = %broadcast_in_dim3A_69, %parallel_loop3A_329 = %broadcast_in_dim3A_71, %parallel_loop3A_330 = %broadcast_in_dim3A_73, %parallel_loop3A_331 = %broadcast_in_dim3A_75, %parallel_loop3A_332 = %broadcast_in_dim3A_77, %parallel_loop3A_333 = %broadcast_in_dim3A_79, %parallel_loop3A_334 = %broadcast_in_dim3A_81) -> (vector<16xf32>, vector<16xf32>, vector<16xf32>, vector<16xf32>, vector<16xf32>, vector<16xf32>, vector<16xf32>, vector<16xf32>)  : i32 {
      %parallel_loop3A_335 = arith.constant 0 : i32
      %parallel_loop3A_336 = arith.index_cast %parallel_loop3A_335 : i32 to index
      %parallel_loop3A_337 = arith.index_cast %parallel_loop3A_326 : i32 to index
      %parallel_loop3A_338 = arith.constant 0 : index
      %parallel_loop3A_339 = tpu.vector_load %arg7[%parallel_loop3A_336, %parallel_loop3A_337, %parallel_loop3A_338] {strides = array<i32>} : memref<2x128x128xf32, #tpu.memory_space<vmem>>, vector<1x1x16xf32>,
      %parallel_loop3A_340 = vector.shape_cast %parallel_loop3A_339 : vector<1x1x16xf32> to vector<16xf32>
      %parallel_loop3A_341 = arith.constant 0 : i32
      %parallel_loop3A_342 = arith.index_cast %parallel_loop3A_341 : i32 to index
      %parallel_loop3A_343 = arith.index_cast %parallel_loop3A_326 : i32 to index
      %parallel_loop3A_344 = arith.constant 0 : index
      %parallel_loop3A_345 = tpu.vector_load %arg8[%parallel_loop3A_342, %parallel_loop3A_343, %parallel_loop3A_344] {strides = array<i32>} : memref<4x128x128xf32, #tpu.memory_space<vmem>>, vector<1x1x16xf32>,
      %parallel_loop3A_346 = vector.shape_cast %parallel_loop3A_345 : vector<1x1x16xf32> to vector<16xf32>
      %parallel_loop3A_347 = arith.subf %parallel_loop3A_340, %parallel_loop3A_346 : vector<16xf32>
      %parallel_loop3A_348 = arith.mulf %parallel_loop3A_347, %parallel_loop3A_347 : vector<16xf32>
      %parallel_loop3A_349 = arith.addf %parallel_loop3A_327, %parallel_loop3A_348 : vector<16xf32>
      %parallel_loop3A_350 = arith.constant 0 : i32
      %parallel_loop3A_351 = arith.index_cast %parallel_loop3A_350 : i32 to index
      %parallel_loop3A_352 = arith.index_cast %parallel_loop3A_326 : i32 to index
      %parallel_loop3A_353 = arith.constant 16 : index
      %parallel_loop3A_354 = tpu.vector_load %arg7[%parallel_loop3A_351, %parallel_loop3A_352, %parallel_loop3A_353] {strides = array<i32>} : memref<2x128x128xf32, #tpu.memory_space<vmem>>, vector<1x1x16xf32>,
      %parallel_loop3A_355 = vector.shape_cast %parallel_loop3A_354 : vector<1x1x16xf32> to vector<16xf32>
      %parallel_loop3A_356 = arith.constant 0 : i32
      %parallel_loop3A_357 = arith.index_cast %parallel_loop3A_356 : i32 to index
      %parallel_loop3A_358 = arith.index_cast %parallel_loop3A_326 : i32 to index
      %parallel_loop3A_359 = arith.constant 16 : index
      %parallel_loop3A_360 = tpu.vector_load %arg8[%parallel_loop3A_357, %parallel_loop3A_358, %parallel_loop3A_359] {strides = array<i32>} : memref<4x128x128xf32, #tpu.memory_space<vmem>>, vector<1x1x16xf32>,
      %parallel_loop3A_361 = vector.shape_cast %parallel_loop3A_360 : vector<1x1x16xf32> to vector<16xf32>
      %parallel_loop3A_362 = arith.subf %parallel_loop3A_355, %parallel_loop3A_361 : vector<16xf32>
      %parallel_loop3A_363 = arith.mulf %parallel_loop3A_362, %parallel_loop3A_362 : vector<16xf32>
      %parallel_loop3A_364 = arith.addf %parallel_loop3A_328, %parallel_loop3A_363 : vector<16xf32>
      %parallel_loop3A_365 = arith.constant 0 : i32
      %parallel_loop3A_366 = arith.index_cast %parallel_loop3A_365 : i32 to index
      %parallel_loop3A_367 = arith.index_cast %parallel_loop3A_326 : i32 to index
      %parallel_loop3A_368 = arith.constant 32 : index
      %parallel_loop3A_369 = tpu.vector_load %arg7[%parallel_loop3A_366, %parallel_loop3A_367, %parallel_loop3A_368] {strides = array<i32>} : memref<2x128x128xf32, #tpu.memory_space<vmem>>, vector<1x1x16xf32>,
      %parallel_loop3A_370 = vector.shape_cast %parallel_loop3A_369 : vector<1x1x16xf32> to vector<16xf32>
      %parallel_loop3A_371 = arith.constant 0 : i32
      %parallel_loop3A_372 = arith.index_cast %parallel_loop3A_371 : i32 to index
      %parallel_loop3A_373 = arith.index_cast %parallel_loop3A_326 : i32 to index
      %parallel_loop3A_374 = arith.constant 32 : index
      %parallel_loop3A_375 = tpu.vector_load %arg8[%parallel_loop3A_372, %parallel_loop3A_373, %parallel_loop3A_374] {strides = array<i32>} : memref<4x128x128xf32, #tpu.memory_space<vmem>>, vector<1x1x16xf32>,
      %parallel_loop3A_376 = vector.shape_cast %parallel_loop3A_375 : vector<1x1x16xf32> to vector<16xf32>
      %parallel_loop3A_377 = arith.subf %parallel_loop3A_370, %parallel_loop3A_376 : vector<16xf32>
      %parallel_loop3A_378 = arith.mulf %parallel_loop3A_377, %parallel_loop3A_377 : vector<16xf32>
      %parallel_loop3A_379 = arith.addf %parallel_loop3A_329, %parallel_loop3A_378 : vector<16xf32>
      %parallel_loop3A_380 = arith.constant 0 : i32
      %parallel_loop3A_381 = arith.index_cast %parallel_loop3A_380 : i32 to index
      %parallel_loop3A_382 = arith.index_cast %parallel_loop3A_326 : i32 to index
      %parallel_loop3A_383 = arith.constant 48 : index
      %parallel_loop3A_384 = tpu.vector_load %arg7[%parallel_loop3A_381, %parallel_loop3A_382, %parallel_loop3A_383] {strides = array<i32>} : memref<2x128x128xf32, #tpu.memory_space<vmem>>, vector<1x1x16xf32>,
      %parallel_loop3A_385 = vector.shape_cast %parallel_loop3A_384 : vector<1x1x16xf32> to vector<16xf32>
      %parallel_loop3A_386 = arith.constant 0 : i32
      %parallel_loop3A_387 = arith.index_cast %parallel_loop3A_386 : i32 to index
      %parallel_loop3A_388 = arith.index_cast %parallel_loop3A_326 : i32 to index
      %parallel_loop3A_389 = arith.constant 48 : index
      %parallel_loop3A_390 = tpu.vector_load %arg8[%parallel_loop3A_387, %parallel_loop3A_388, %parallel_loop3A_389] {strides = array<i32>} : memref<4x128x128xf32, #tpu.memory_space<vmem>>, vector<1x1x16xf32>,
      %parallel_loop3A_391 = vector.shape_cast %parallel_loop3A_390 : vector<1x1x16xf32> to vector<16xf32>
      %parallel_loop3A_392 = arith.subf %parallel_loop3A_385, %parallel_loop3A_391 : vector<16xf32>
      %parallel_loop3A_393 = arith.mulf %parallel_loop3A_392, %parallel_loop3A_392 : vector<16xf32>
      %parallel_loop3A_394 = arith.addf %parallel_loop3A_330, %parallel_loop3A_393 : vector<16xf32>
      %parallel_loop3A_395 = arith.constant 0 : i32
      %parallel_loop3A_396 = arith.index_cast %parallel_loop3A_395 : i32 to index
      %parallel_loop3A_397 = arith.index_cast %parallel_loop3A_326 : i32 to index
      %parallel_loop3A_398 = arith.constant 64 : index
      %parallel_loop3A_399 = tpu.vector_load %arg7[%parallel_loop3A_396, %parallel_loop3A_397, %parallel_loop3A_398] {strides = array<i32>} : memref<2x128x128xf32, #tpu.memory_space<vmem>>, vector<1x1x16xf32>,
      %parallel_loop3A_400 = vector.shape_cast %parallel_loop3A_399 : vector<1x1x16xf32> to vector<16xf32>
      %parallel_loop3A_401 = arith.constant 0 : i32
      %parallel_loop3A_402 = arith.index_cast %parallel_loop3A_401 : i32 to index
      %parallel_loop3A_403 = arith.index_cast %parallel_loop3A_326 : i32 to index
      %parallel_loop3A_404 = arith.constant 64 : index
      %parallel_loop3A_405 = tpu.vector_load %arg8[%parallel_loop3A_402, %parallel_loop3A_403, %parallel_loop3A_404] {strides = array<i32>} : memref<4x128x128xf32, #tpu.memory_space<vmem>>, vector<1x1x16xf32>,
      %parallel_loop3A_406 = vector.shape_cast %parallel_loop3A_405 : vector<1x1x16xf32> to vector<16xf32>
      %parallel_loop3A_407 = arith.subf %parallel_loop3A_400, %parallel_loop3A_406 : vector<16xf32>
      %parallel_loop3A_408 = arith.mulf %parallel_loop3A_407, %parallel_loop3A_407 : vector<16xf32>
      %parallel_loop3A_409 = arith.addf %parallel_loop3A_331, %parallel_loop3A_408 : vector<16xf32>
      %parallel_loop3A_410 = arith.constant 0 : i32
      %parallel_loop3A_411 = arith.index_cast %parallel_loop3A_410 : i32 to index
      %parallel_loop3A_412 = arith.index_cast %parallel_loop3A_326 : i32 to index
      %parallel_loop3A_413 = arith.constant 80 : index
      %parallel_loop3A_414 = tpu.vector_load %arg7[%parallel_loop3A_411, %parallel_loop3A_412, %parallel_loop3A_413] {strides = array<i32>} : memref<2x128x128xf32, #tpu.memory_space<vmem>>, vector<1x1x16xf32>,
      %parallel_loop3A_415 = vector.shape_cast %parallel_loop3A_414 : vector<1x1x16xf32> to vector<16xf32>
      %parallel_loop3A_416 = arith.constant 0 : i32
      %parallel_loop3A_417 = arith.index_cast %parallel_loop3A_416 : i32 to index
      %parallel_loop3A_418 = arith.index_cast %parallel_loop3A_326 : i32 to index
      %parallel_loop3A_419 = arith.constant 80 : index
      %parallel_loop3A_420 = tpu.vector_load %arg8[%parallel_loop3A_417, %parallel_loop3A_418, %parallel_loop3A_419] {strides = array<i32>} : memref<4x128x128xf32, #tpu.memory_space<vmem>>, vector<1x1x16xf32>,
      %parallel_loop3A_421 = vector.shape_cast %parallel_loop3A_420 : vector<1x1x16xf32> to vector<16xf32>
      %parallel_loop3A_422 = arith.subf %parallel_loop3A_415, %parallel_loop3A_421 : vector<16xf32>
      %parallel_loop3A_423 = arith.mulf %parallel_loop3A_422, %parallel_loop3A_422 : vector<16xf32>
      %parallel_loop3A_424 = arith.addf %parallel_loop3A_332, %parallel_loop3A_423 : vector<16xf32>
      %parallel_loop3A_425 = arith.constant 0 : i32
      %parallel_loop3A_426 = arith.index_cast %parallel_loop3A_425 : i32 to index
      %parallel_loop3A_427 = arith.index_cast %parallel_loop3A_326 : i32 to index
      %parallel_loop3A_428 = arith.constant 96 : index
      %parallel_loop3A_429 = tpu.vector_load %arg7[%parallel_loop3A_426, %parallel_loop3A_427, %parallel_loop3A_428] {strides = array<i32>} : memref<2x128x128xf32, #tpu.memory_space<vmem>>, vector<1x1x16xf32>,
      %parallel_loop3A_430 = vector.shape_cast %parallel_loop3A_429 : vector<1x1x16xf32> to vector<16xf32>
      %parallel_loop3A_431 = arith.constant 0 : i32
      %parallel_loop3A_432 = arith.index_cast %parallel_loop3A_431 : i32 to index
      %parallel_loop3A_433 = arith.index_cast %parallel_loop3A_326 : i32 to index
      %parallel_loop3A_434 = arith.constant 96 : index
      %parallel_loop3A_435 = tpu.vector_load %arg8[%parallel_loop3A_432, %parallel_loop3A_433, %parallel_loop3A_434] {strides = array<i32>} : memref<4x128x128xf32, #tpu.memory_space<vmem>>, vector<1x1x16xf32>,
      %parallel_loop3A_436 = vector.shape_cast %parallel_loop3A_435 : vector<1x1x16xf32> to vector<16xf32>
      %parallel_loop3A_437 = arith.subf %parallel_loop3A_430, %parallel_loop3A_436 : vector<16xf32>
      %parallel_loop3A_438 = arith.mulf %parallel_loop3A_437, %parallel_loop3A_437 : vector<16xf32>
      %parallel_loop3A_439 = arith.addf %parallel_loop3A_333, %parallel_loop3A_438 : vector<16xf32>
      %parallel_loop3A_440 = arith.constant 0 : i32
      %parallel_loop3A_441 = arith.index_cast %parallel_loop3A_440 : i32 to index
      %parallel_loop3A_442 = arith.index_cast %parallel_loop3A_326 : i32 to index
      %parallel_loop3A_443 = arith.constant 112 : index
      %parallel_loop3A_444 = tpu.vector_load %arg7[%parallel_loop3A_441, %parallel_loop3A_442, %parallel_loop3A_443] {strides = array<i32>} : memref<2x128x128xf32, #tpu.memory_space<vmem>>, vector<1x1x16xf32>,
      %parallel_loop3A_445 = vector.shape_cast %parallel_loop3A_444 : vector<1x1x16xf32> to vector<16xf32>
      %parallel_loop3A_446 = arith.constant 0 : i32
      %parallel_loop3A_447 = arith.index_cast %parallel_loop3A_446 : i32 to index
      %parallel_loop3A_448 = arith.index_cast %parallel_loop3A_326 : i32 to index
      %parallel_loop3A_449 = arith.constant 112 : index
      %parallel_loop3A_450 = tpu.vector_load %arg8[%parallel_loop3A_447, %parallel_loop3A_448, %parallel_loop3A_449] {strides = array<i32>} : memref<4x128x128xf32, #tpu.memory_space<vmem>>, vector<1x1x16xf32>,
      %parallel_loop3A_451 = vector.shape_cast %parallel_loop3A_450 : vector<1x1x16xf32> to vector<16xf32>
      %parallel_loop3A_452 = arith.subf %parallel_loop3A_445, %parallel_loop3A_451 : vector<16xf32>
      %parallel_loop3A_453 = arith.mulf %parallel_loop3A_452, %parallel_loop3A_452 : vector<16xf32>
      %parallel_loop3A_454 = arith.addf %parallel_loop3A_334, %parallel_loop3A_453 : vector<16xf32>
      scf.yield %parallel_loop3A_349, %parallel_loop3A_364, %parallel_loop3A_379, %parallel_loop3A_394, %parallel_loop3A_409, %parallel_loop3A_424, %parallel_loop3A_439, %parallel_loop3A_454 : vector<16xf32>, vector<16xf32>, vector<16xf32>, vector<16xf32>, vector<16xf32>, vector<16xf32>, vector<16xf32>, vector<16xf32>
    } {sc.loop_unroll_factor = 16 : i64, sc.parallel_access}
    %dma_wait3A_132 = arith.constant 1 : i32
    %dma_wait3A_133 = arith.constant 1 : i32
    %dma_wait3A_134 = arith.constant 0 : i32
    %dma_wait3A_135 = arith.constant 0 : i32
    %dma_wait3A_136 = tpu.memref_slice %arg7[%dma_wait3A_133, %dma_wait3A_134, %dma_wait3A_135] : memref<2x128x128xf32, #tpu.memory_space<vmem>> -> memref<1x128x128xf32, #tpu.memory_space<vmem>>
    %dma_wait3A_137 = tpu.memref_squeeze %dma_wait3A_136 : memref<1x128x128xf32, #tpu.memory_space<vmem>> -> memref<128x128xf32, #tpu.memory_space<vmem>>
    %dma_wait3A_138 = arith.constant 0 : i32
    %dma_wait3A_139 = arith.constant 0 : i32
    %dma_wait3A_140 = tpu.memref_slice %arg2[%add3A, %dma_wait3A_132, %dma_wait3A_138, %dma_wait3A_139] : memref<32x4x128x128xf32, #tpu.memory_space<hbm>> -> memref<1x1x128x128xf32, #tpu.memory_space<hbm>>
    %dma_wait3A_141 = tpu.memref_squeeze %dma_wait3A_140 : memref<1x1x128x128xf32, #tpu.memory_space<hbm>> -> memref<128x128xf32, #tpu.memory_space<hbm>>
    %dma_wait3A_142 = arith.constant 0 : i32
    %dma_wait3A_143 = arith.constant 0 : i32
    %dma_wait3A_144 = tpu.memref_slice %arg7[%dma_wait3A_133, %dma_wait3A_142, %dma_wait3A_143] : memref<2x128x128xf32, #tpu.memory_space<vmem>> -> memref<1x128x128xf32, #tpu.memory_space<vmem>>
    %dma_wait3A_145 = tpu.memref_squeeze %dma_wait3A_144 : memref<1x128x128xf32, #tpu.memory_space<vmem>> -> memref<128x128xf32, #tpu.memory_space<vmem>>
    %dma_wait3A_146 = arith.constant 0 : i32
    %dma_wait3A_147 = arith.constant 0 : i32
    %dma_wait3A_148 = tpu.memref_slice %arg2[%add3A, %dma_wait3A_132, %dma_wait3A_146, %dma_wait3A_147] : memref<32x4x128x128xf32, #tpu.memory_space<hbm>> -> memref<1x1x128x128xf32, #tpu.memory_space<hbm>>
    %dma_wait3A_149 = tpu.memref_squeeze %dma_wait3A_148 : memref<1x1x128x128xf32, #tpu.memory_space<hbm>> -> memref<128x128xf32, #tpu.memory_space<hbm>>
    tpu.wait_dma2 semaphore(%arg11 : memref<!tpu.dma_semaphore, #tpu.memory_space<semaphore_mem>>) src(%dma_wait3A_149 : memref<128x128xf32, #tpu.memory_space<hbm>>) dst(%dma_wait3A_145 : memref<128x128xf32, #tpu.memory_space<vmem>>)
    %dma_start3A_150 = arith.constant 2 : i32
    %dma_start3A_151 = arith.constant 0 : i32
    %dma_start3A_152 = arith.constant 0 : i32
    %dma_start3A_153 = arith.constant 0 : i32
    %dma_start3A_154 = tpu.memref_slice %arg7[%dma_start3A_151, %dma_start3A_152, %dma_start3A_153] : memref<2x128x128xf32, #tpu.memory_space<vmem>> -> memref<1x128x128xf32, #tpu.memory_space<vmem>>
    %dma_start3A_155 = tpu.memref_squeeze %dma_start3A_154 : memref<1x128x128xf32, #tpu.memory_space<vmem>> -> memref<128x128xf32, #tpu.memory_space<vmem>>
    %dma_start3A_156 = arith.constant 0 : i32
    %dma_start3A_157 = arith.constant 0 : i32
    %dma_start3A_158 = tpu.memref_slice %arg2[%add3A, %dma_start3A_150, %dma_start3A_156, %dma_start3A_157] : memref<32x4x128x128xf32, #tpu.memory_space<hbm>> -> memref<1x1x128x128xf32, #tpu.memory_space<hbm>>
    %dma_start3A_159 = tpu.memref_squeeze %dma_start3A_158 : memref<1x1x128x128xf32, #tpu.memory_space<hbm>> -> memref<128x128xf32, #tpu.memory_space<hbm>>
    %dma_start3A_160 = arith.constant 0 : i32
    %dma_start3A_161 = arith.constant 0 : i32
    %dma_start3A_162 = tpu.memref_slice %arg7[%dma_start3A_151, %dma_start3A_160, %dma_start3A_161] : memref<2x128x128xf32, #tpu.memory_space<vmem>> -> memref<1x128x128xf32, #tpu.memory_space<vmem>>
    %dma_start3A_163 = tpu.memref_squeeze %dma_start3A_162 : memref<1x128x128xf32, #tpu.memory_space<vmem>> -> memref<128x128xf32, #tpu.memory_space<vmem>>
    %dma_start3A_164 = arith.constant 0 : i32
    %dma_start3A_165 = arith.constant 0 : i32
    %dma_start3A_166 = tpu.memref_slice %arg2[%add3A, %dma_start3A_150, %dma_start3A_164, %dma_start3A_165] : memref<32x4x128x128xf32, #tpu.memory_space<hbm>> -> memref<1x1x128x128xf32, #tpu.memory_space<hbm>>
    %dma_start3A_167 = tpu.memref_squeeze %dma_start3A_166 : memref<1x1x128x128xf32, #tpu.memory_space<hbm>> -> memref<128x128xf32, #tpu.memory_space<hbm>>
    tpu.enqueue_dma source(%dma_start3A_167 : memref<128x128xf32, #tpu.memory_space<hbm>>) target(%dma_start3A_163 : memref<128x128xf32, #tpu.memory_space<vmem>>) target_semaphore(%arg10 : memref<!tpu.dma_semaphore, #tpu.memory_space<semaphore_mem>>)
    %dma_wait3A_168 = arith.constant 1 : i32
    %dma_wait3A_169 = arith.constant 1 : i32
    %dma_wait3A_170 = arith.constant 0 : i32
    %dma_wait3A_171 = arith.constant 0 : i32
    %dma_wait3A_172 = tpu.memref_slice %arg8[%dma_wait3A_169, %dma_wait3A_170, %dma_wait3A_171] : memref<4x128x128xf32, #tpu.memory_space<vmem>> -> memref<1x128x128xf32, #tpu.memory_space<vmem>>
    %dma_wait3A_173 = tpu.memref_squeeze %dma_wait3A_172 : memref<1x128x128xf32, #tpu.memory_space<vmem>> -> memref<128x128xf32, #tpu.memory_space<vmem>>
    %dma_wait3A_174 = arith.constant 0 : i32
    %dma_wait3A_175 = tpu.memref_slice %arg6[%dma_wait3A_168, %dma_wait3A_174] : memref<4x128xi32, #tpu.memory_space<vmem>> -> memref<1x128xi32, #tpu.memory_space<vmem>>
    %dma_wait3A_176 = tpu.memref_squeeze %dma_wait3A_175 : memref<1x128xi32, #tpu.memory_space<vmem>> -> memref<128xi32, #tpu.memory_space<vmem>>
    %dma_wait3A_177 = arith.constant 0 : i32
    %dma_wait3A_178 = arith.constant 0 : i32
    %dma_wait3A_179 = tpu.memref_slice %arg4[%dma_wait3A_177, %dma_wait3A_178] : memref<100000x128xf32, #tpu.memory_space<hbm>> -> memref<100000x128xf32, #tpu.memory_space<hbm>>
    tpu.wait_indirect_dma semaphore(%arg13 : memref<!tpu.dma_semaphore, #tpu.memory_space<semaphore_mem>>) src(%dma_wait3A_179 : memref<100000x128xf32, #tpu.memory_space<hbm>>) dst(%dma_wait3A_173 : memref<128x128xf32, #tpu.memory_space<vmem>>)
    %parallel_loop3A_180 = arith.constant 0 : i32
    %parallel_loop3A_181 = arith.constant 128 : i32
    %parallel_loop3A_182 = arith.constant 1 : i32
    %parallel_loop3A_183:8 = scf.for %parallel_loop3A_326 = %parallel_loop3A_180 to %parallel_loop3A_181 step %parallel_loop3A_182 iter_args(%parallel_loop3A_327 = %parallel_loop3A_131#0, %parallel_loop3A_328 = %parallel_loop3A_131#1, %parallel_loop3A_329 = %parallel_loop3A_131#2, %parallel_loop3A_330 = %parallel_loop3A_131#3, %parallel_loop3A_331 = %parallel_loop3A_131#4, %parallel_loop3A_332 = %parallel_loop3A_131#5, %parallel_loop3A_333 = %parallel_loop3A_131#6, %parallel_loop3A_334 = %parallel_loop3A_131#7) -> (vector<16xf32>, vector<16xf32>, vector<16xf32>, vector<16xf32>, vector<16xf32>, vector<16xf32>, vector<16xf32>, vector<16xf32>)  : i32 {
      %parallel_loop3A_335 = arith.constant 1 : i32
      %parallel_loop3A_336 = arith.index_cast %parallel_loop3A_335 : i32 to index
      %parallel_loop3A_337 = arith.index_cast %parallel_loop3A_326 : i32 to index
      %parallel_loop3A_338 = arith.constant 0 : index
      %parallel_loop3A_339 = tpu.vector_load %arg7[%parallel_loop3A_336, %parallel_loop3A_337, %parallel_loop3A_338] {strides = array<i32>} : memref<2x128x128xf32, #tpu.memory_space<vmem>>, vector<1x1x16xf32>,
      %parallel_loop3A_340 = vector.shape_cast %parallel_loop3A_339 : vector<1x1x16xf32> to vector<16xf32>
      %parallel_loop3A_341 = arith.constant 1 : i32
      %parallel_loop3A_342 = arith.index_cast %parallel_loop3A_341 : i32 to index
      %parallel_loop3A_343 = arith.index_cast %parallel_loop3A_326 : i32 to index
      %parallel_loop3A_344 = arith.constant 0 : index
      %parallel_loop3A_345 = tpu.vector_load %arg8[%parallel_loop3A_342, %parallel_loop3A_343, %parallel_loop3A_344] {strides = array<i32>} : memref<4x128x128xf32, #tpu.memory_space<vmem>>, vector<1x1x16xf32>,
      %parallel_loop3A_346 = vector.shape_cast %parallel_loop3A_345 : vector<1x1x16xf32> to vector<16xf32>
      %parallel_loop3A_347 = arith.subf %parallel_loop3A_340, %parallel_loop3A_346 : vector<16xf32>
      %parallel_loop3A_348 = arith.mulf %parallel_loop3A_347, %parallel_loop3A_347 : vector<16xf32>
      %parallel_loop3A_349 = arith.addf %parallel_loop3A_327, %parallel_loop3A_348 : vector<16xf32>
      %parallel_loop3A_350 = arith.constant 1 : i32
      %parallel_loop3A_351 = arith.index_cast %parallel_loop3A_350 : i32 to index
      %parallel_loop3A_352 = arith.index_cast %parallel_loop3A_326 : i32 to index
      %parallel_loop3A_353 = arith.constant 16 : index
      %parallel_loop3A_354 = tpu.vector_load %arg7[%parallel_loop3A_351, %parallel_loop3A_352, %parallel_loop3A_353] {strides = array<i32>} : memref<2x128x128xf32, #tpu.memory_space<vmem>>, vector<1x1x16xf32>,
      %parallel_loop3A_355 = vector.shape_cast %parallel_loop3A_354 : vector<1x1x16xf32> to vector<16xf32>
      %parallel_loop3A_356 = arith.constant 1 : i32
      %parallel_loop3A_357 = arith.index_cast %parallel_loop3A_356 : i32 to index
      %parallel_loop3A_358 = arith.index_cast %parallel_loop3A_326 : i32 to index
      %parallel_loop3A_359 = arith.constant 16 : index
      %parallel_loop3A_360 = tpu.vector_load %arg8[%parallel_loop3A_357, %parallel_loop3A_358, %parallel_loop3A_359] {strides = array<i32>} : memref<4x128x128xf32, #tpu.memory_space<vmem>>, vector<1x1x16xf32>,
      %parallel_loop3A_361 = vector.shape_cast %parallel_loop3A_360 : vector<1x1x16xf32> to vector<16xf32>
      %parallel_loop3A_362 = arith.subf %parallel_loop3A_355, %parallel_loop3A_361 : vector<16xf32>
      %parallel_loop3A_363 = arith.mulf %parallel_loop3A_362, %parallel_loop3A_362 : vector<16xf32>
      %parallel_loop3A_364 = arith.addf %parallel_loop3A_328, %parallel_loop3A_363 : vector<16xf32>
      %parallel_loop3A_365 = arith.constant 1 : i32
      %parallel_loop3A_366 = arith.index_cast %parallel_loop3A_365 : i32 to index
      %parallel_loop3A_367 = arith.index_cast %parallel_loop3A_326 : i32 to index
      %parallel_loop3A_368 = arith.constant 32 : index
      %parallel_loop3A_369 = tpu.vector_load %arg7[%parallel_loop3A_366, %parallel_loop3A_367, %parallel_loop3A_368] {strides = array<i32>} : memref<2x128x128xf32, #tpu.memory_space<vmem>>, vector<1x1x16xf32>,
      %parallel_loop3A_370 = vector.shape_cast %parallel_loop3A_369 : vector<1x1x16xf32> to vector<16xf32>
      %parallel_loop3A_371 = arith.constant 1 : i32
      %parallel_loop3A_372 = arith.index_cast %parallel_loop3A_371 : i32 to index
      %parallel_loop3A_373 = arith.index_cast %parallel_loop3A_326 : i32 to index
      %parallel_loop3A_374 = arith.constant 32 : index
      %parallel_loop3A_375 = tpu.vector_load %arg8[%parallel_loop3A_372, %parallel_loop3A_373, %parallel_loop3A_374] {strides = array<i32>} : memref<4x128x128xf32, #tpu.memory_space<vmem>>, vector<1x1x16xf32>,
      %parallel_loop3A_376 = vector.shape_cast %parallel_loop3A_375 : vector<1x1x16xf32> to vector<16xf32>
      %parallel_loop3A_377 = arith.subf %parallel_loop3A_370, %parallel_loop3A_376 : vector<16xf32>
      %parallel_loop3A_378 = arith.mulf %parallel_loop3A_377, %parallel_loop3A_377 : vector<16xf32>
      %parallel_loop3A_379 = arith.addf %parallel_loop3A_329, %parallel_loop3A_378 : vector<16xf32>
      %parallel_loop3A_380 = arith.constant 1 : i32
      %parallel_loop3A_381 = arith.index_cast %parallel_loop3A_380 : i32 to index
      %parallel_loop3A_382 = arith.index_cast %parallel_loop3A_326 : i32 to index
      %parallel_loop3A_383 = arith.constant 48 : index
      %parallel_loop3A_384 = tpu.vector_load %arg7[%parallel_loop3A_381, %parallel_loop3A_382, %parallel_loop3A_383] {strides = array<i32>} : memref<2x128x128xf32, #tpu.memory_space<vmem>>, vector<1x1x16xf32>,
      %parallel_loop3A_385 = vector.shape_cast %parallel_loop3A_384 : vector<1x1x16xf32> to vector<16xf32>
      %parallel_loop3A_386 = arith.constant 1 : i32
      %parallel_loop3A_387 = arith.index_cast %parallel_loop3A_386 : i32 to index
      %parallel_loop3A_388 = arith.index_cast %parallel_loop3A_326 : i32 to index
      %parallel_loop3A_389 = arith.constant 48 : index
      %parallel_loop3A_390 = tpu.vector_load %arg8[%parallel_loop3A_387, %parallel_loop3A_388, %parallel_loop3A_389] {strides = array<i32>} : memref<4x128x128xf32, #tpu.memory_space<vmem>>, vector<1x1x16xf32>,
      %parallel_loop3A_391 = vector.shape_cast %parallel_loop3A_390 : vector<1x1x16xf32> to vector<16xf32>
      %parallel_loop3A_392 = arith.subf %parallel_loop3A_385, %parallel_loop3A_391 : vector<16xf32>
      %parallel_loop3A_393 = arith.mulf %parallel_loop3A_392, %parallel_loop3A_392 : vector<16xf32>
      %parallel_loop3A_394 = arith.addf %parallel_loop3A_330, %parallel_loop3A_393 : vector<16xf32>
      %parallel_loop3A_395 = arith.constant 1 : i32
      %parallel_loop3A_396 = arith.index_cast %parallel_loop3A_395 : i32 to index
      %parallel_loop3A_397 = arith.index_cast %parallel_loop3A_326 : i32 to index
      %parallel_loop3A_398 = arith.constant 64 : index
      %parallel_loop3A_399 = tpu.vector_load %arg7[%parallel_loop3A_396, %parallel_loop3A_397, %parallel_loop3A_398] {strides = array<i32>} : memref<2x128x128xf32, #tpu.memory_space<vmem>>, vector<1x1x16xf32>,
      %parallel_loop3A_400 = vector.shape_cast %parallel_loop3A_399 : vector<1x1x16xf32> to vector<16xf32>
      %parallel_loop3A_401 = arith.constant 1 : i32
      %parallel_loop3A_402 = arith.index_cast %parallel_loop3A_401 : i32 to index
      %parallel_loop3A_403 = arith.index_cast %parallel_loop3A_326 : i32 to index
      %parallel_loop3A_404 = arith.constant 64 : index
      %parallel_loop3A_405 = tpu.vector_load %arg8[%parallel_loop3A_402, %parallel_loop3A_403, %parallel_loop3A_404] {strides = array<i32>} : memref<4x128x128xf32, #tpu.memory_space<vmem>>, vector<1x1x16xf32>,
      %parallel_loop3A_406 = vector.shape_cast %parallel_loop3A_405 : vector<1x1x16xf32> to vector<16xf32>
      %parallel_loop3A_407 = arith.subf %parallel_loop3A_400, %parallel_loop3A_406 : vector<16xf32>
      %parallel_loop3A_408 = arith.mulf %parallel_loop3A_407, %parallel_loop3A_407 : vector<16xf32>
      %parallel_loop3A_409 = arith.addf %parallel_loop3A_331, %parallel_loop3A_408 : vector<16xf32>
      %parallel_loop3A_410 = arith.constant 1 : i32
      %parallel_loop3A_411 = arith.index_cast %parallel_loop3A_410 : i32 to index
      %parallel_loop3A_412 = arith.index_cast %parallel_loop3A_326 : i32 to index
      %parallel_loop3A_413 = arith.constant 80 : index
      %parallel_loop3A_414 = tpu.vector_load %arg7[%parallel_loop3A_411, %parallel_loop3A_412, %parallel_loop3A_413] {strides = array<i32>} : memref<2x128x128xf32, #tpu.memory_space<vmem>>, vector<1x1x16xf32>,
      %parallel_loop3A_415 = vector.shape_cast %parallel_loop3A_414 : vector<1x1x16xf32> to vector<16xf32>
      %parallel_loop3A_416 = arith.constant 1 : i32
      %parallel_loop3A_417 = arith.index_cast %parallel_loop3A_416 : i32 to index
      %parallel_loop3A_418 = arith.index_cast %parallel_loop3A_326 : i32 to index
      %parallel_loop3A_419 = arith.constant 80 : index
      %parallel_loop3A_420 = tpu.vector_load %arg8[%parallel_loop3A_417, %parallel_loop3A_418, %parallel_loop3A_419] {strides = array<i32>} : memref<4x128x128xf32, #tpu.memory_space<vmem>>, vector<1x1x16xf32>,
      %parallel_loop3A_421 = vector.shape_cast %parallel_loop3A_420 : vector<1x1x16xf32> to vector<16xf32>
      %parallel_loop3A_422 = arith.subf %parallel_loop3A_415, %parallel_loop3A_421 : vector<16xf32>
      %parallel_loop3A_423 = arith.mulf %parallel_loop3A_422, %parallel_loop3A_422 : vector<16xf32>
      %parallel_loop3A_424 = arith.addf %parallel_loop3A_332, %parallel_loop3A_423 : vector<16xf32>
      %parallel_loop3A_425 = arith.constant 1 : i32
      %parallel_loop3A_426 = arith.index_cast %parallel_loop3A_425 : i32 to index
      %parallel_loop3A_427 = arith.index_cast %parallel_loop3A_326 : i32 to index
      %parallel_loop3A_428 = arith.constant 96 : index
      %parallel_loop3A_429 = tpu.vector_load %arg7[%parallel_loop3A_426, %parallel_loop3A_427, %parallel_loop3A_428] {strides = array<i32>} : memref<2x128x128xf32, #tpu.memory_space<vmem>>, vector<1x1x16xf32>,
      %parallel_loop3A_430 = vector.shape_cast %parallel_loop3A_429 : vector<1x1x16xf32> to vector<16xf32>
      %parallel_loop3A_431 = arith.constant 1 : i32
      %parallel_loop3A_432 = arith.index_cast %parallel_loop3A_431 : i32 to index
      %parallel_loop3A_433 = arith.index_cast %parallel_loop3A_326 : i32 to index
      %parallel_loop3A_434 = arith.constant 96 : index
      %parallel_loop3A_435 = tpu.vector_load %arg8[%parallel_loop3A_432, %parallel_loop3A_433, %parallel_loop3A_434] {strides = array<i32>} : memref<4x128x128xf32, #tpu.memory_space<vmem>>, vector<1x1x16xf32>,
      %parallel_loop3A_436 = vector.shape_cast %parallel_loop3A_435 : vector<1x1x16xf32> to vector<16xf32>
      %parallel_loop3A_437 = arith.subf %parallel_loop3A_430, %parallel_loop3A_436 : vector<16xf32>
      %parallel_loop3A_438 = arith.mulf %parallel_loop3A_437, %parallel_loop3A_437 : vector<16xf32>
      %parallel_loop3A_439 = arith.addf %parallel_loop3A_333, %parallel_loop3A_438 : vector<16xf32>
      %parallel_loop3A_440 = arith.constant 1 : i32
      %parallel_loop3A_441 = arith.index_cast %parallel_loop3A_440 : i32 to index
      %parallel_loop3A_442 = arith.index_cast %parallel_loop3A_326 : i32 to index
      %parallel_loop3A_443 = arith.constant 112 : index
      %parallel_loop3A_444 = tpu.vector_load %arg7[%parallel_loop3A_441, %parallel_loop3A_442, %parallel_loop3A_443] {strides = array<i32>} : memref<2x128x128xf32, #tpu.memory_space<vmem>>, vector<1x1x16xf32>,
      %parallel_loop3A_445 = vector.shape_cast %parallel_loop3A_444 : vector<1x1x16xf32> to vector<16xf32>
      %parallel_loop3A_446 = arith.constant 1 : i32
      %parallel_loop3A_447 = arith.index_cast %parallel_loop3A_446 : i32 to index
      %parallel_loop3A_448 = arith.index_cast %parallel_loop3A_326 : i32 to index
      %parallel_loop3A_449 = arith.constant 112 : index
      %parallel_loop3A_450 = tpu.vector_load %arg8[%parallel_loop3A_447, %parallel_loop3A_448, %parallel_loop3A_449] {strides = array<i32>} : memref<4x128x128xf32, #tpu.memory_space<vmem>>, vector<1x1x16xf32>,
      %parallel_loop3A_451 = vector.shape_cast %parallel_loop3A_450 : vector<1x1x16xf32> to vector<16xf32>
      %parallel_loop3A_452 = arith.subf %parallel_loop3A_445, %parallel_loop3A_451 : vector<16xf32>
      %parallel_loop3A_453 = arith.mulf %parallel_loop3A_452, %parallel_loop3A_452 : vector<16xf32>
      %parallel_loop3A_454 = arith.addf %parallel_loop3A_334, %parallel_loop3A_453 : vector<16xf32>
      scf.yield %parallel_loop3A_349, %parallel_loop3A_364, %parallel_loop3A_379, %parallel_loop3A_394, %parallel_loop3A_409, %parallel_loop3A_424, %parallel_loop3A_439, %parallel_loop3A_454 : vector<16xf32>, vector<16xf32>, vector<16xf32>, vector<16xf32>, vector<16xf32>, vector<16xf32>, vector<16xf32>, vector<16xf32>
    } {sc.loop_unroll_factor = 16 : i64, sc.parallel_access}
    %dma_wait3A_184 = arith.constant 2 : i32
    %dma_wait3A_185 = arith.constant 0 : i32
    %dma_wait3A_186 = arith.constant 0 : i32
    %dma_wait3A_187 = arith.constant 0 : i32
    %dma_wait3A_188 = tpu.memref_slice %arg7[%dma_wait3A_185, %dma_wait3A_186, %dma_wait3A_187] : memref<2x128x128xf32, #tpu.memory_space<vmem>> -> memref<1x128x128xf32, #tpu.memory_space<vmem>>
    %dma_wait3A_189 = tpu.memref_squeeze %dma_wait3A_188 : memref<1x128x128xf32, #tpu.memory_space<vmem>> -> memref<128x128xf32, #tpu.memory_space<vmem>>
    %dma_wait3A_190 = arith.constant 0 : i32
    %dma_wait3A_191 = arith.constant 0 : i32
    %dma_wait3A_192 = tpu.memref_slice %arg2[%add3A, %dma_wait3A_184, %dma_wait3A_190, %dma_wait3A_191] : memref<32x4x128x128xf32, #tpu.memory_space<hbm>> -> memref<1x1x128x128xf32, #tpu.memory_space<hbm>>
    %dma_wait3A_193 = tpu.memref_squeeze %dma_wait3A_192 : memref<1x1x128x128xf32, #tpu.memory_space<hbm>> -> memref<128x128xf32, #tpu.memory_space<hbm>>
    %dma_wait3A_194 = arith.constant 0 : i32
    %dma_wait3A_195 = arith.constant 0 : i32
    %dma_wait3A_196 = tpu.memref_slice %arg7[%dma_wait3A_185, %dma_wait3A_194, %dma_wait3A_195] : memref<2x128x128xf32, #tpu.memory_space<vmem>> -> memref<1x128x128xf32, #tpu.memory_space<vmem>>
    %dma_wait3A_197 = tpu.memref_squeeze %dma_wait3A_196 : memref<1x128x128xf32, #tpu.memory_space<vmem>> -> memref<128x128xf32, #tpu.memory_space<vmem>>
    %dma_wait3A_198 = arith.constant 0 : i32
    %dma_wait3A_199 = arith.constant 0 : i32
    %dma_wait3A_200 = tpu.memref_slice %arg2[%add3A, %dma_wait3A_184, %dma_wait3A_198, %dma_wait3A_199] : memref<32x4x128x128xf32, #tpu.memory_space<hbm>> -> memref<1x1x128x128xf32, #tpu.memory_space<hbm>>
    %dma_wait3A_201 = tpu.memref_squeeze %dma_wait3A_200 : memref<1x1x128x128xf32, #tpu.memory_space<hbm>> -> memref<128x128xf32, #tpu.memory_space<hbm>>
    tpu.wait_dma2 semaphore(%arg10 : memref<!tpu.dma_semaphore, #tpu.memory_space<semaphore_mem>>) src(%dma_wait3A_201 : memref<128x128xf32, #tpu.memory_space<hbm>>) dst(%dma_wait3A_197 : memref<128x128xf32, #tpu.memory_space<vmem>>)
    %dma_start3A_202 = arith.constant 3 : i32
    %dma_start3A_203 = arith.constant 1 : i32
    %dma_start3A_204 = arith.constant 0 : i32
    %dma_start3A_205 = arith.constant 0 : i32
    %dma_start3A_206 = tpu.memref_slice %arg7[%dma_start3A_203, %dma_start3A_204, %dma_start3A_205] : memref<2x128x128xf32, #tpu.memory_space<vmem>> -> memref<1x128x128xf32, #tpu.memory_space<vmem>>
    %dma_start3A_207 = tpu.memref_squeeze %dma_start3A_206 : memref<1x128x128xf32, #tpu.memory_space<vmem>> -> memref<128x128xf32, #tpu.memory_space<vmem>>
    %dma_start3A_208 = arith.constant 0 : i32
    %dma_start3A_209 = arith.constant 0 : i32
    %dma_start3A_210 = tpu.memref_slice %arg2[%add3A, %dma_start3A_202, %dma_start3A_208, %dma_start3A_209] : memref<32x4x128x128xf32, #tpu.memory_space<hbm>> -> memref<1x1x128x128xf32, #tpu.memory_space<hbm>>
    %dma_start3A_211 = tpu.memref_squeeze %dma_start3A_210 : memref<1x1x128x128xf32, #tpu.memory_space<hbm>> -> memref<128x128xf32, #tpu.memory_space<hbm>>
    %dma_start3A_212 = arith.constant 0 : i32
    %dma_start3A_213 = arith.constant 0 : i32
    %dma_start3A_214 = tpu.memref_slice %arg7[%dma_start3A_203, %dma_start3A_212, %dma_start3A_213] : memref<2x128x128xf32, #tpu.memory_space<vmem>> -> memref<1x128x128xf32, #tpu.memory_space<vmem>>
    %dma_start3A_215 = tpu.memref_squeeze %dma_start3A_214 : memref<1x128x128xf32, #tpu.memory_space<vmem>> -> memref<128x128xf32, #tpu.memory_space<vmem>>
    %dma_start3A_216 = arith.constant 0 : i32
    %dma_start3A_217 = arith.constant 0 : i32
    %dma_start3A_218 = tpu.memref_slice %arg2[%add3A, %dma_start3A_202, %dma_start3A_216, %dma_start3A_217] : memref<32x4x128x128xf32, #tpu.memory_space<hbm>> -> memref<1x1x128x128xf32, #tpu.memory_space<hbm>>
    %dma_start3A_219 = tpu.memref_squeeze %dma_start3A_218 : memref<1x1x128x128xf32, #tpu.memory_space<hbm>> -> memref<128x128xf32, #tpu.memory_space<hbm>>
    tpu.enqueue_dma source(%dma_start3A_219 : memref<128x128xf32, #tpu.memory_space<hbm>>) target(%dma_start3A_215 : memref<128x128xf32, #tpu.memory_space<vmem>>) target_semaphore(%arg11 : memref<!tpu.dma_semaphore, #tpu.memory_space<semaphore_mem>>)
    %dma_wait3A_220 = arith.constant 2 : i32
    %dma_wait3A_221 = arith.constant 2 : i32
    %dma_wait3A_222 = arith.constant 0 : i32
    %dma_wait3A_223 = arith.constant 0 : i32
    %dma_wait3A_224 = tpu.memref_slice %arg8[%dma_wait3A_221, %dma_wait3A_222, %dma_wait3A_223] : memref<4x128x128xf32, #tpu.memory_space<vmem>> -> memref<1x128x128xf32, #tpu.memory_space<vmem>>
    %dma_wait3A_225 = tpu.memref_squeeze %dma_wait3A_224 : memref<1x128x128xf32, #tpu.memory_space<vmem>> -> memref<128x128xf32, #tpu.memory_space<vmem>>
    %dma_wait3A_226 = arith.constant 0 : i32
    %dma_wait3A_227 = tpu.memref_slice %arg6[%dma_wait3A_220, %dma_wait3A_226] : memref<4x128xi32, #tpu.memory_space<vmem>> -> memref<1x128xi32, #tpu.memory_space<vmem>>
    %dma_wait3A_228 = tpu.memref_squeeze %dma_wait3A_227 : memref<1x128xi32, #tpu.memory_space<vmem>> -> memref<128xi32, #tpu.memory_space<vmem>>
    %dma_wait3A_229 = arith.constant 0 : i32
    %dma_wait3A_230 = arith.constant 0 : i32
    %dma_wait3A_231 = tpu.memref_slice %arg4[%dma_wait3A_229, %dma_wait3A_230] : memref<100000x128xf32, #tpu.memory_space<hbm>> -> memref<100000x128xf32, #tpu.memory_space<hbm>>
    tpu.wait_indirect_dma semaphore(%arg14 : memref<!tpu.dma_semaphore, #tpu.memory_space<semaphore_mem>>) src(%dma_wait3A_231 : memref<100000x128xf32, #tpu.memory_space<hbm>>) dst(%dma_wait3A_225 : memref<128x128xf32, #tpu.memory_space<vmem>>)
    %parallel_loop3A_232 = arith.constant 0 : i32
    %parallel_loop3A_233 = arith.constant 128 : i32
    %parallel_loop3A_234 = arith.constant 1 : i32
    %parallel_loop3A_235:8 = scf.for %parallel_loop3A_326 = %parallel_loop3A_232 to %parallel_loop3A_233 step %parallel_loop3A_234 iter_args(%parallel_loop3A_327 = %parallel_loop3A_183#0, %parallel_loop3A_328 = %parallel_loop3A_183#1, %parallel_loop3A_329 = %parallel_loop3A_183#2, %parallel_loop3A_330 = %parallel_loop3A_183#3, %parallel_loop3A_331 = %parallel_loop3A_183#4, %parallel_loop3A_332 = %parallel_loop3A_183#5, %parallel_loop3A_333 = %parallel_loop3A_183#6, %parallel_loop3A_334 = %parallel_loop3A_183#7) -> (vector<16xf32>, vector<16xf32>, vector<16xf32>, vector<16xf32>, vector<16xf32>, vector<16xf32>, vector<16xf32>, vector<16xf32>)  : i32 {
      %parallel_loop3A_335 = arith.constant 0 : i32
      %parallel_loop3A_336 = arith.index_cast %parallel_loop3A_335 : i32 to index
      %parallel_loop3A_337 = arith.index_cast %parallel_loop3A_326 : i32 to index
      %parallel_loop3A_338 = arith.constant 0 : index
      %parallel_loop3A_339 = tpu.vector_load %arg7[%parallel_loop3A_336, %parallel_loop3A_337, %parallel_loop3A_338] {strides = array<i32>} : memref<2x128x128xf32, #tpu.memory_space<vmem>>, vector<1x1x16xf32>,
      %parallel_loop3A_340 = vector.shape_cast %parallel_loop3A_339 : vector<1x1x16xf32> to vector<16xf32>
      %parallel_loop3A_341 = arith.constant 2 : i32
      %parallel_loop3A_342 = arith.index_cast %parallel_loop3A_341 : i32 to index
      %parallel_loop3A_343 = arith.index_cast %parallel_loop3A_326 : i32 to index
      %parallel_loop3A_344 = arith.constant 0 : index
      %parallel_loop3A_345 = tpu.vector_load %arg8[%parallel_loop3A_342, %parallel_loop3A_343, %parallel_loop3A_344] {strides = array<i32>} : memref<4x128x128xf32, #tpu.memory_space<vmem>>, vector<1x1x16xf32>,
      %parallel_loop3A_346 = vector.shape_cast %parallel_loop3A_345 : vector<1x1x16xf32> to vector<16xf32>
      %parallel_loop3A_347 = arith.subf %parallel_loop3A_340, %parallel_loop3A_346 : vector<16xf32>
      %parallel_loop3A_348 = arith.mulf %parallel_loop3A_347, %parallel_loop3A_347 : vector<16xf32>
      %parallel_loop3A_349 = arith.addf %parallel_loop3A_327, %parallel_loop3A_348 : vector<16xf32>
      %parallel_loop3A_350 = arith.constant 0 : i32
      %parallel_loop3A_351 = arith.index_cast %parallel_loop3A_350 : i32 to index
      %parallel_loop3A_352 = arith.index_cast %parallel_loop3A_326 : i32 to index
      %parallel_loop3A_353 = arith.constant 16 : index
      %parallel_loop3A_354 = tpu.vector_load %arg7[%parallel_loop3A_351, %parallel_loop3A_352, %parallel_loop3A_353] {strides = array<i32>} : memref<2x128x128xf32, #tpu.memory_space<vmem>>, vector<1x1x16xf32>,
      %parallel_loop3A_355 = vector.shape_cast %parallel_loop3A_354 : vector<1x1x16xf32> to vector<16xf32>
      %parallel_loop3A_356 = arith.constant 2 : i32
      %parallel_loop3A_357 = arith.index_cast %parallel_loop3A_356 : i32 to index
      %parallel_loop3A_358 = arith.index_cast %parallel_loop3A_326 : i32 to index
      %parallel_loop3A_359 = arith.constant 16 : index
      %parallel_loop3A_360 = tpu.vector_load %arg8[%parallel_loop3A_357, %parallel_loop3A_358, %parallel_loop3A_359] {strides = array<i32>} : memref<4x128x128xf32, #tpu.memory_space<vmem>>, vector<1x1x16xf32>,
      %parallel_loop3A_361 = vector.shape_cast %parallel_loop3A_360 : vector<1x1x16xf32> to vector<16xf32>
      %parallel_loop3A_362 = arith.subf %parallel_loop3A_355, %parallel_loop3A_361 : vector<16xf32>
      %parallel_loop3A_363 = arith.mulf %parallel_loop3A_362, %parallel_loop3A_362 : vector<16xf32>
      %parallel_loop3A_364 = arith.addf %parallel_loop3A_328, %parallel_loop3A_363 : vector<16xf32>
      %parallel_loop3A_365 = arith.constant 0 : i32
      %parallel_loop3A_366 = arith.index_cast %parallel_loop3A_365 : i32 to index
      %parallel_loop3A_367 = arith.index_cast %parallel_loop3A_326 : i32 to index
      %parallel_loop3A_368 = arith.constant 32 : index
      %parallel_loop3A_369 = tpu.vector_load %arg7[%parallel_loop3A_366, %parallel_loop3A_367, %parallel_loop3A_368] {strides = array<i32>} : memref<2x128x128xf32, #tpu.memory_space<vmem>>, vector<1x1x16xf32>,
      %parallel_loop3A_370 = vector.shape_cast %parallel_loop3A_369 : vector<1x1x16xf32> to vector<16xf32>
      %parallel_loop3A_371 = arith.constant 2 : i32
      %parallel_loop3A_372 = arith.index_cast %parallel_loop3A_371 : i32 to index
      %parallel_loop3A_373 = arith.index_cast %parallel_loop3A_326 : i32 to index
      %parallel_loop3A_374 = arith.constant 32 : index
      %parallel_loop3A_375 = tpu.vector_load %arg8[%parallel_loop3A_372, %parallel_loop3A_373, %parallel_loop3A_374] {strides = array<i32>} : memref<4x128x128xf32, #tpu.memory_space<vmem>>, vector<1x1x16xf32>,
      %parallel_loop3A_376 = vector.shape_cast %parallel_loop3A_375 : vector<1x1x16xf32> to vector<16xf32>
      %parallel_loop3A_377 = arith.subf %parallel_loop3A_370, %parallel_loop3A_376 : vector<16xf32>
      %parallel_loop3A_378 = arith.mulf %parallel_loop3A_377, %parallel_loop3A_377 : vector<16xf32>
      %parallel_loop3A_379 = arith.addf %parallel_loop3A_329, %parallel_loop3A_378 : vector<16xf32>
      %parallel_loop3A_380 = arith.constant 0 : i32
      %parallel_loop3A_381 = arith.index_cast %parallel_loop3A_380 : i32 to index
      %parallel_loop3A_382 = arith.index_cast %parallel_loop3A_326 : i32 to index
      %parallel_loop3A_383 = arith.constant 48 : index
      %parallel_loop3A_384 = tpu.vector_load %arg7[%parallel_loop3A_381, %parallel_loop3A_382, %parallel_loop3A_383] {strides = array<i32>} : memref<2x128x128xf32, #tpu.memory_space<vmem>>, vector<1x1x16xf32>,
      %parallel_loop3A_385 = vector.shape_cast %parallel_loop3A_384 : vector<1x1x16xf32> to vector<16xf32>
      %parallel_loop3A_386 = arith.constant 2 : i32
      %parallel_loop3A_387 = arith.index_cast %parallel_loop3A_386 : i32 to index
      %parallel_loop3A_388 = arith.index_cast %parallel_loop3A_326 : i32 to index
      %parallel_loop3A_389 = arith.constant 48 : index
      %parallel_loop3A_390 = tpu.vector_load %arg8[%parallel_loop3A_387, %parallel_loop3A_388, %parallel_loop3A_389] {strides = array<i32>} : memref<4x128x128xf32, #tpu.memory_space<vmem>>, vector<1x1x16xf32>,
      %parallel_loop3A_391 = vector.shape_cast %parallel_loop3A_390 : vector<1x1x16xf32> to vector<16xf32>
      %parallel_loop3A_392 = arith.subf %parallel_loop3A_385, %parallel_loop3A_391 : vector<16xf32>
      %parallel_loop3A_393 = arith.mulf %parallel_loop3A_392, %parallel_loop3A_392 : vector<16xf32>
      %parallel_loop3A_394 = arith.addf %parallel_loop3A_330, %parallel_loop3A_393 : vector<16xf32>
      %parallel_loop3A_395 = arith.constant 0 : i32
      %parallel_loop3A_396 = arith.index_cast %parallel_loop3A_395 : i32 to index
      %parallel_loop3A_397 = arith.index_cast %parallel_loop3A_326 : i32 to index
      %parallel_loop3A_398 = arith.constant 64 : index
      %parallel_loop3A_399 = tpu.vector_load %arg7[%parallel_loop3A_396, %parallel_loop3A_397, %parallel_loop3A_398] {strides = array<i32>} : memref<2x128x128xf32, #tpu.memory_space<vmem>>, vector<1x1x16xf32>,
      %parallel_loop3A_400 = vector.shape_cast %parallel_loop3A_399 : vector<1x1x16xf32> to vector<16xf32>
      %parallel_loop3A_401 = arith.constant 2 : i32
      %parallel_loop3A_402 = arith.index_cast %parallel_loop3A_401 : i32 to index
      %parallel_loop3A_403 = arith.index_cast %parallel_loop3A_326 : i32 to index
      %parallel_loop3A_404 = arith.constant 64 : index
      %parallel_loop3A_405 = tpu.vector_load %arg8[%parallel_loop3A_402, %parallel_loop3A_403, %parallel_loop3A_404] {strides = array<i32>} : memref<4x128x128xf32, #tpu.memory_space<vmem>>, vector<1x1x16xf32>,
      %parallel_loop3A_406 = vector.shape_cast %parallel_loop3A_405 : vector<1x1x16xf32> to vector<16xf32>
      %parallel_loop3A_407 = arith.subf %parallel_loop3A_400, %parallel_loop3A_406 : vector<16xf32>
      %parallel_loop3A_408 = arith.mulf %parallel_loop3A_407, %parallel_loop3A_407 : vector<16xf32>
      %parallel_loop3A_409 = arith.addf %parallel_loop3A_331, %parallel_loop3A_408 : vector<16xf32>
      %parallel_loop3A_410 = arith.constant 0 : i32
      %parallel_loop3A_411 = arith.index_cast %parallel_loop3A_410 : i32 to index
      %parallel_loop3A_412 = arith.index_cast %parallel_loop3A_326 : i32 to index
      %parallel_loop3A_413 = arith.constant 80 : index
      %parallel_loop3A_414 = tpu.vector_load %arg7[%parallel_loop3A_411, %parallel_loop3A_412, %parallel_loop3A_413] {strides = array<i32>} : memref<2x128x128xf32, #tpu.memory_space<vmem>>, vector<1x1x16xf32>,
      %parallel_loop3A_415 = vector.shape_cast %parallel_loop3A_414 : vector<1x1x16xf32> to vector<16xf32>
      %parallel_loop3A_416 = arith.constant 2 : i32
      %parallel_loop3A_417 = arith.index_cast %parallel_loop3A_416 : i32 to index
      %parallel_loop3A_418 = arith.index_cast %parallel_loop3A_326 : i32 to index
      %parallel_loop3A_419 = arith.constant 80 : index
      %parallel_loop3A_420 = tpu.vector_load %arg8[%parallel_loop3A_417, %parallel_loop3A_418, %parallel_loop3A_419] {strides = array<i32>} : memref<4x128x128xf32, #tpu.memory_space<vmem>>, vector<1x1x16xf32>,
      %parallel_loop3A_421 = vector.shape_cast %parallel_loop3A_420 : vector<1x1x16xf32> to vector<16xf32>
      %parallel_loop3A_422 = arith.subf %parallel_loop3A_415, %parallel_loop3A_421 : vector<16xf32>
      %parallel_loop3A_423 = arith.mulf %parallel_loop3A_422, %parallel_loop3A_422 : vector<16xf32>
      %parallel_loop3A_424 = arith.addf %parallel_loop3A_332, %parallel_loop3A_423 : vector<16xf32>
      %parallel_loop3A_425 = arith.constant 0 : i32
      %parallel_loop3A_426 = arith.index_cast %parallel_loop3A_425 : i32 to index
      %parallel_loop3A_427 = arith.index_cast %parallel_loop3A_326 : i32 to index
      %parallel_loop3A_428 = arith.constant 96 : index
      %parallel_loop3A_429 = tpu.vector_load %arg7[%parallel_loop3A_426, %parallel_loop3A_427, %parallel_loop3A_428] {strides = array<i32>} : memref<2x128x128xf32, #tpu.memory_space<vmem>>, vector<1x1x16xf32>,
      %parallel_loop3A_430 = vector.shape_cast %parallel_loop3A_429 : vector<1x1x16xf32> to vector<16xf32>
      %parallel_loop3A_431 = arith.constant 2 : i32
      %parallel_loop3A_432 = arith.index_cast %parallel_loop3A_431 : i32 to index
      %parallel_loop3A_433 = arith.index_cast %parallel_loop3A_326 : i32 to index
      %parallel_loop3A_434 = arith.constant 96 : index
      %parallel_loop3A_435 = tpu.vector_load %arg8[%parallel_loop3A_432, %parallel_loop3A_433, %parallel_loop3A_434] {strides = array<i32>} : memref<4x128x128xf32, #tpu.memory_space<vmem>>, vector<1x1x16xf32>,
      %parallel_loop3A_436 = vector.shape_cast %parallel_loop3A_435 : vector<1x1x16xf32> to vector<16xf32>
      %parallel_loop3A_437 = arith.subf %parallel_loop3A_430, %parallel_loop3A_436 : vector<16xf32>
      %parallel_loop3A_438 = arith.mulf %parallel_loop3A_437, %parallel_loop3A_437 : vector<16xf32>
      %parallel_loop3A_439 = arith.addf %parallel_loop3A_333, %parallel_loop3A_438 : vector<16xf32>
      %parallel_loop3A_440 = arith.constant 0 : i32
      %parallel_loop3A_441 = arith.index_cast %parallel_loop3A_440 : i32 to index
      %parallel_loop3A_442 = arith.index_cast %parallel_loop3A_326 : i32 to index
      %parallel_loop3A_443 = arith.constant 112 : index
      %parallel_loop3A_444 = tpu.vector_load %arg7[%parallel_loop3A_441, %parallel_loop3A_442, %parallel_loop3A_443] {strides = array<i32>} : memref<2x128x128xf32, #tpu.memory_space<vmem>>, vector<1x1x16xf32>,
      %parallel_loop3A_445 = vector.shape_cast %parallel_loop3A_444 : vector<1x1x16xf32> to vector<16xf32>
      %parallel_loop3A_446 = arith.constant 2 : i32
      %parallel_loop3A_447 = arith.index_cast %parallel_loop3A_446 : i32 to index
      %parallel_loop3A_448 = arith.index_cast %parallel_loop3A_326 : i32 to index
      %parallel_loop3A_449 = arith.constant 112 : index
      %parallel_loop3A_450 = tpu.vector_load %arg8[%parallel_loop3A_447, %parallel_loop3A_448, %parallel_loop3A_449] {strides = array<i32>} : memref<4x128x128xf32, #tpu.memory_space<vmem>>, vector<1x1x16xf32>,
      %parallel_loop3A_451 = vector.shape_cast %parallel_loop3A_450 : vector<1x1x16xf32> to vector<16xf32>
      %parallel_loop3A_452 = arith.subf %parallel_loop3A_445, %parallel_loop3A_451 : vector<16xf32>
      %parallel_loop3A_453 = arith.mulf %parallel_loop3A_452, %parallel_loop3A_452 : vector<16xf32>
      %parallel_loop3A_454 = arith.addf %parallel_loop3A_334, %parallel_loop3A_453 : vector<16xf32>
      scf.yield %parallel_loop3A_349, %parallel_loop3A_364, %parallel_loop3A_379, %parallel_loop3A_394, %parallel_loop3A_409, %parallel_loop3A_424, %parallel_loop3A_439, %parallel_loop3A_454 : vector<16xf32>, vector<16xf32>, vector<16xf32>, vector<16xf32>, vector<16xf32>, vector<16xf32>, vector<16xf32>, vector<16xf32>
    } {sc.loop_unroll_factor = 16 : i64, sc.parallel_access}
    %dma_wait3A_236 = arith.constant 3 : i32
    %dma_wait3A_237 = arith.constant 1 : i32
    %dma_wait3A_238 = arith.constant 0 : i32
    %dma_wait3A_239 = arith.constant 0 : i32
    %dma_wait3A_240 = tpu.memref_slice %arg7[%dma_wait3A_237, %dma_wait3A_238, %dma_wait3A_239] : memref<2x128x128xf32, #tpu.memory_space<vmem>> -> memref<1x128x128xf32, #tpu.memory_space<vmem>>
    %dma_wait3A_241 = tpu.memref_squeeze %dma_wait3A_240 : memref<1x128x128xf32, #tpu.memory_space<vmem>> -> memref<128x128xf32, #tpu.memory_space<vmem>>
    %dma_wait3A_242 = arith.constant 0 : i32
    %dma_wait3A_243 = arith.constant 0 : i32
    %dma_wait3A_244 = tpu.memref_slice %arg2[%add3A, %dma_wait3A_236, %dma_wait3A_242, %dma_wait3A_243] : memref<32x4x128x128xf32, #tpu.memory_space<hbm>> -> memref<1x1x128x128xf32, #tpu.memory_space<hbm>>
    %dma_wait3A_245 = tpu.memref_squeeze %dma_wait3A_244 : memref<1x1x128x128xf32, #tpu.memory_space<hbm>> -> memref<128x128xf32, #tpu.memory_space<hbm>>
    %dma_wait3A_246 = arith.constant 0 : i32
    %dma_wait3A_247 = arith.constant 0 : i32
    %dma_wait3A_248 = tpu.memref_slice %arg7[%dma_wait3A_237, %dma_wait3A_246, %dma_wait3A_247] : memref<2x128x128xf32, #tpu.memory_space<vmem>> -> memref<1x128x128xf32, #tpu.memory_space<vmem>>
    %dma_wait3A_249 = tpu.memref_squeeze %dma_wait3A_248 : memref<1x128x128xf32, #tpu.memory_space<vmem>> -> memref<128x128xf32, #tpu.memory_space<vmem>>
    %dma_wait3A_250 = arith.constant 0 : i32
    %dma_wait3A_251 = arith.constant 0 : i32
    %dma_wait3A_252 = tpu.memref_slice %arg2[%add3A, %dma_wait3A_236, %dma_wait3A_250, %dma_wait3A_251] : memref<32x4x128x128xf32, #tpu.memory_space<hbm>> -> memref<1x1x128x128xf32, #tpu.memory_space<hbm>>
    %dma_wait3A_253 = tpu.memref_squeeze %dma_wait3A_252 : memref<1x1x128x128xf32, #tpu.memory_space<hbm>> -> memref<128x128xf32, #tpu.memory_space<hbm>>
    tpu.wait_dma2 semaphore(%arg11 : memref<!tpu.dma_semaphore, #tpu.memory_space<semaphore_mem>>) src(%dma_wait3A_253 : memref<128x128xf32, #tpu.memory_space<hbm>>) dst(%dma_wait3A_249 : memref<128x128xf32, #tpu.memory_space<vmem>>)
    %dma_wait3A_254 = arith.constant 3 : i32
    %dma_wait3A_255 = arith.constant 3 : i32
    %dma_wait3A_256 = arith.constant 0 : i32
    %dma_wait3A_257 = arith.constant 0 : i32
    %dma_wait3A_258 = tpu.memref_slice %arg8[%dma_wait3A_255, %dma_wait3A_256, %dma_wait3A_257] : memref<4x128x128xf32, #tpu.memory_space<vmem>> -> memref<1x128x128xf32, #tpu.memory_space<vmem>>
    %dma_wait3A_259 = tpu.memref_squeeze %dma_wait3A_258 : memref<1x128x128xf32, #tpu.memory_space<vmem>> -> memref<128x128xf32, #tpu.memory_space<vmem>>
    %dma_wait3A_260 = arith.constant 0 : i32
    %dma_wait3A_261 = tpu.memref_slice %arg6[%dma_wait3A_254, %dma_wait3A_260] : memref<4x128xi32, #tpu.memory_space<vmem>> -> memref<1x128xi32, #tpu.memory_space<vmem>>
    %dma_wait3A_262 = tpu.memref_squeeze %dma_wait3A_261 : memref<1x128xi32, #tpu.memory_space<vmem>> -> memref<128xi32, #tpu.memory_space<vmem>>
    %dma_wait3A_263 = arith.constant 0 : i32
    %dma_wait3A_264 = arith.constant 0 : i32
    %dma_wait3A_265 = tpu.memref_slice %arg4[%dma_wait3A_263, %dma_wait3A_264] : memref<100000x128xf32, #tpu.memory_space<hbm>> -> memref<100000x128xf32, #tpu.memory_space<hbm>>
    tpu.wait_indirect_dma semaphore(%arg15 : memref<!tpu.dma_semaphore, #tpu.memory_space<semaphore_mem>>) src(%dma_wait3A_265 : memref<100000x128xf32, #tpu.memory_space<hbm>>) dst(%dma_wait3A_259 : memref<128x128xf32, #tpu.memory_space<vmem>>)
    %parallel_loop3A_266 = arith.constant 0 : i32
    %parallel_loop3A_267 = arith.constant 128 : i32
    %parallel_loop3A_268 = arith.constant 1 : i32
    %parallel_loop3A_269:8 = scf.for %parallel_loop3A_326 = %parallel_loop3A_266 to %parallel_loop3A_267 step %parallel_loop3A_268 iter_args(%parallel_loop3A_327 = %parallel_loop3A_235#0, %parallel_loop3A_328 = %parallel_loop3A_235#1, %parallel_loop3A_329 = %parallel_loop3A_235#2, %parallel_loop3A_330 = %parallel_loop3A_235#3, %parallel_loop3A_331 = %parallel_loop3A_235#4, %parallel_loop3A_332 = %parallel_loop3A_235#5, %parallel_loop3A_333 = %parallel_loop3A_235#6, %parallel_loop3A_334 = %parallel_loop3A_235#7) -> (vector<16xf32>, vector<16xf32>, vector<16xf32>, vector<16xf32>, vector<16xf32>, vector<16xf32>, vector<16xf32>, vector<16xf32>)  : i32 {
      %parallel_loop3A_335 = arith.constant 1 : i32
      %parallel_loop3A_336 = arith.index_cast %parallel_loop3A_335 : i32 to index
      %parallel_loop3A_337 = arith.index_cast %parallel_loop3A_326 : i32 to index
      %parallel_loop3A_338 = arith.constant 0 : index
      %parallel_loop3A_339 = tpu.vector_load %arg7[%parallel_loop3A_336, %parallel_loop3A_337, %parallel_loop3A_338] {strides = array<i32>} : memref<2x128x128xf32, #tpu.memory_space<vmem>>, vector<1x1x16xf32>,
      %parallel_loop3A_340 = vector.shape_cast %parallel_loop3A_339 : vector<1x1x16xf32> to vector<16xf32>
      %parallel_loop3A_341 = arith.constant 3 : i32
      %parallel_loop3A_342 = arith.index_cast %parallel_loop3A_341 : i32 to index
      %parallel_loop3A_343 = arith.index_cast %parallel_loop3A_326 : i32 to index
      %parallel_loop3A_344 = arith.constant 0 : index
      %parallel_loop3A_345 = tpu.vector_load %arg8[%parallel_loop3A_342, %parallel_loop3A_343, %parallel_loop3A_344] {strides = array<i32>} : memref<4x128x128xf32, #tpu.memory_space<vmem>>, vector<1x1x16xf32>,
      %parallel_loop3A_346 = vector.shape_cast %parallel_loop3A_345 : vector<1x1x16xf32> to vector<16xf32>
      %parallel_loop3A_347 = arith.subf %parallel_loop3A_340, %parallel_loop3A_346 : vector<16xf32>
      %parallel_loop3A_348 = arith.mulf %parallel_loop3A_347, %parallel_loop3A_347 : vector<16xf32>
      %parallel_loop3A_349 = arith.addf %parallel_loop3A_327, %parallel_loop3A_348 : vector<16xf32>
      %parallel_loop3A_350 = arith.constant 1 : i32
      %parallel_loop3A_351 = arith.index_cast %parallel_loop3A_350 : i32 to index
      %parallel_loop3A_352 = arith.index_cast %parallel_loop3A_326 : i32 to index
      %parallel_loop3A_353 = arith.constant 16 : index
      %parallel_loop3A_354 = tpu.vector_load %arg7[%parallel_loop3A_351, %parallel_loop3A_352, %parallel_loop3A_353] {strides = array<i32>} : memref<2x128x128xf32, #tpu.memory_space<vmem>>, vector<1x1x16xf32>,
      %parallel_loop3A_355 = vector.shape_cast %parallel_loop3A_354 : vector<1x1x16xf32> to vector<16xf32>
      %parallel_loop3A_356 = arith.constant 3 : i32
      %parallel_loop3A_357 = arith.index_cast %parallel_loop3A_356 : i32 to index
      %parallel_loop3A_358 = arith.index_cast %parallel_loop3A_326 : i32 to index
      %parallel_loop3A_359 = arith.constant 16 : index
      %parallel_loop3A_360 = tpu.vector_load %arg8[%parallel_loop3A_357, %parallel_loop3A_358, %parallel_loop3A_359] {strides = array<i32>} : memref<4x128x128xf32, #tpu.memory_space<vmem>>, vector<1x1x16xf32>,
      %parallel_loop3A_361 = vector.shape_cast %parallel_loop3A_360 : vector<1x1x16xf32> to vector<16xf32>
      %parallel_loop3A_362 = arith.subf %parallel_loop3A_355, %parallel_loop3A_361 : vector<16xf32>
      %parallel_loop3A_363 = arith.mulf %parallel_loop3A_362, %parallel_loop3A_362 : vector<16xf32>
      %parallel_loop3A_364 = arith.addf %parallel_loop3A_328, %parallel_loop3A_363 : vector<16xf32>
      %parallel_loop3A_365 = arith.constant 1 : i32
      %parallel_loop3A_366 = arith.index_cast %parallel_loop3A_365 : i32 to index
      %parallel_loop3A_367 = arith.index_cast %parallel_loop3A_326 : i32 to index
      %parallel_loop3A_368 = arith.constant 32 : index
      %parallel_loop3A_369 = tpu.vector_load %arg7[%parallel_loop3A_366, %parallel_loop3A_367, %parallel_loop3A_368] {strides = array<i32>} : memref<2x128x128xf32, #tpu.memory_space<vmem>>, vector<1x1x16xf32>,
      %parallel_loop3A_370 = vector.shape_cast %parallel_loop3A_369 : vector<1x1x16xf32> to vector<16xf32>
      %parallel_loop3A_371 = arith.constant 3 : i32
      %parallel_loop3A_372 = arith.index_cast %parallel_loop3A_371 : i32 to index
      %parallel_loop3A_373 = arith.index_cast %parallel_loop3A_326 : i32 to index
      %parallel_loop3A_374 = arith.constant 32 : index
      %parallel_loop3A_375 = tpu.vector_load %arg8[%parallel_loop3A_372, %parallel_loop3A_373, %parallel_loop3A_374] {strides = array<i32>} : memref<4x128x128xf32, #tpu.memory_space<vmem>>, vector<1x1x16xf32>,
      %parallel_loop3A_376 = vector.shape_cast %parallel_loop3A_375 : vector<1x1x16xf32> to vector<16xf32>
      %parallel_loop3A_377 = arith.subf %parallel_loop3A_370, %parallel_loop3A_376 : vector<16xf32>
      %parallel_loop3A_378 = arith.mulf %parallel_loop3A_377, %parallel_loop3A_377 : vector<16xf32>
      %parallel_loop3A_379 = arith.addf %parallel_loop3A_329, %parallel_loop3A_378 : vector<16xf32>
      %parallel_loop3A_380 = arith.constant 1 : i32
      %parallel_loop3A_381 = arith.index_cast %parallel_loop3A_380 : i32 to index
      %parallel_loop3A_382 = arith.index_cast %parallel_loop3A_326 : i32 to index
      %parallel_loop3A_383 = arith.constant 48 : index
      %parallel_loop3A_384 = tpu.vector_load %arg7[%parallel_loop3A_381, %parallel_loop3A_382, %parallel_loop3A_383] {strides = array<i32>} : memref<2x128x128xf32, #tpu.memory_space<vmem>>, vector<1x1x16xf32>,
      %parallel_loop3A_385 = vector.shape_cast %parallel_loop3A_384 : vector<1x1x16xf32> to vector<16xf32>
      %parallel_loop3A_386 = arith.constant 3 : i32
      %parallel_loop3A_387 = arith.index_cast %parallel_loop3A_386 : i32 to index
      %parallel_loop3A_388 = arith.index_cast %parallel_loop3A_326 : i32 to index
      %parallel_loop3A_389 = arith.constant 48 : index
      %parallel_loop3A_390 = tpu.vector_load %arg8[%parallel_loop3A_387, %parallel_loop3A_388, %parallel_loop3A_389] {strides = array<i32>} : memref<4x128x128xf32, #tpu.memory_space<vmem>>, vector<1x1x16xf32>,
      %parallel_loop3A_391 = vector.shape_cast %parallel_loop3A_390 : vector<1x1x16xf32> to vector<16xf32>
      %parallel_loop3A_392 = arith.subf %parallel_loop3A_385, %parallel_loop3A_391 : vector<16xf32>
      %parallel_loop3A_393 = arith.mulf %parallel_loop3A_392, %parallel_loop3A_392 : vector<16xf32>
      %parallel_loop3A_394 = arith.addf %parallel_loop3A_330, %parallel_loop3A_393 : vector<16xf32>
      %parallel_loop3A_395 = arith.constant 1 : i32
      %parallel_loop3A_396 = arith.index_cast %parallel_loop3A_395 : i32 to index
      %parallel_loop3A_397 = arith.index_cast %parallel_loop3A_326 : i32 to index
      %parallel_loop3A_398 = arith.constant 64 : index
      %parallel_loop3A_399 = tpu.vector_load %arg7[%parallel_loop3A_396, %parallel_loop3A_397, %parallel_loop3A_398] {strides = array<i32>} : memref<2x128x128xf32, #tpu.memory_space<vmem>>, vector<1x1x16xf32>,
      %parallel_loop3A_400 = vector.shape_cast %parallel_loop3A_399 : vector<1x1x16xf32> to vector<16xf32>
      %parallel_loop3A_401 = arith.constant 3 : i32
      %parallel_loop3A_402 = arith.index_cast %parallel_loop3A_401 : i32 to index
      %parallel_loop3A_403 = arith.index_cast %parallel_loop3A_326 : i32 to index
      %parallel_loop3A_404 = arith.constant 64 : index
      %parallel_loop3A_405 = tpu.vector_load %arg8[%parallel_loop3A_402, %parallel_loop3A_403, %parallel_loop3A_404] {strides = array<i32>} : memref<4x128x128xf32, #tpu.memory_space<vmem>>, vector<1x1x16xf32>,
      %parallel_loop3A_406 = vector.shape_cast %parallel_loop3A_405 : vector<1x1x16xf32> to vector<16xf32>
      %parallel_loop3A_407 = arith.subf %parallel_loop3A_400, %parallel_loop3A_406 : vector<16xf32>
      %parallel_loop3A_408 = arith.mulf %parallel_loop3A_407, %parallel_loop3A_407 : vector<16xf32>
      %parallel_loop3A_409 = arith.addf %parallel_loop3A_331, %parallel_loop3A_408 : vector<16xf32>
      %parallel_loop3A_410 = arith.constant 1 : i32
      %parallel_loop3A_411 = arith.index_cast %parallel_loop3A_410 : i32 to index
      %parallel_loop3A_412 = arith.index_cast %parallel_loop3A_326 : i32 to index
      %parallel_loop3A_413 = arith.constant 80 : index
      %parallel_loop3A_414 = tpu.vector_load %arg7[%parallel_loop3A_411, %parallel_loop3A_412, %parallel_loop3A_413] {strides = array<i32>} : memref<2x128x128xf32, #tpu.memory_space<vmem>>, vector<1x1x16xf32>,
      %parallel_loop3A_415 = vector.shape_cast %parallel_loop3A_414 : vector<1x1x16xf32> to vector<16xf32>
      %parallel_loop3A_416 = arith.constant 3 : i32
      %parallel_loop3A_417 = arith.index_cast %parallel_loop3A_416 : i32 to index
      %parallel_loop3A_418 = arith.index_cast %parallel_loop3A_326 : i32 to index
      %parallel_loop3A_419 = arith.constant 80 : index
      %parallel_loop3A_420 = tpu.vector_load %arg8[%parallel_loop3A_417, %parallel_loop3A_418, %parallel_loop3A_419] {strides = array<i32>} : memref<4x128x128xf32, #tpu.memory_space<vmem>>, vector<1x1x16xf32>,
      %parallel_loop3A_421 = vector.shape_cast %parallel_loop3A_420 : vector<1x1x16xf32> to vector<16xf32>
      %parallel_loop3A_422 = arith.subf %parallel_loop3A_415, %parallel_loop3A_421 : vector<16xf32>
      %parallel_loop3A_423 = arith.mulf %parallel_loop3A_422, %parallel_loop3A_422 : vector<16xf32>
      %parallel_loop3A_424 = arith.addf %parallel_loop3A_332, %parallel_loop3A_423 : vector<16xf32>
      %parallel_loop3A_425 = arith.constant 1 : i32
      %parallel_loop3A_426 = arith.index_cast %parallel_loop3A_425 : i32 to index
      %parallel_loop3A_427 = arith.index_cast %parallel_loop3A_326 : i32 to index
      %parallel_loop3A_428 = arith.constant 96 : index
      %parallel_loop3A_429 = tpu.vector_load %arg7[%parallel_loop3A_426, %parallel_loop3A_427, %parallel_loop3A_428] {strides = array<i32>} : memref<2x128x128xf32, #tpu.memory_space<vmem>>, vector<1x1x16xf32>,
      %parallel_loop3A_430 = vector.shape_cast %parallel_loop3A_429 : vector<1x1x16xf32> to vector<16xf32>
      %parallel_loop3A_431 = arith.constant 3 : i32
      %parallel_loop3A_432 = arith.index_cast %parallel_loop3A_431 : i32 to index
      %parallel_loop3A_433 = arith.index_cast %parallel_loop3A_326 : i32 to index
      %parallel_loop3A_434 = arith.constant 96 : index
      %parallel_loop3A_435 = tpu.vector_load %arg8[%parallel_loop3A_432, %parallel_loop3A_433, %parallel_loop3A_434] {strides = array<i32>} : memref<4x128x128xf32, #tpu.memory_space<vmem>>, vector<1x1x16xf32>,
      %parallel_loop3A_436 = vector.shape_cast %parallel_loop3A_435 : vector<1x1x16xf32> to vector<16xf32>
      %parallel_loop3A_437 = arith.subf %parallel_loop3A_430, %parallel_loop3A_436 : vector<16xf32>
      %parallel_loop3A_438 = arith.mulf %parallel_loop3A_437, %parallel_loop3A_437 : vector<16xf32>
      %parallel_loop3A_439 = arith.addf %parallel_loop3A_333, %parallel_loop3A_438 : vector<16xf32>
      %parallel_loop3A_440 = arith.constant 1 : i32
      %parallel_loop3A_441 = arith.index_cast %parallel_loop3A_440 : i32 to index
      %parallel_loop3A_442 = arith.index_cast %parallel_loop3A_326 : i32 to index
      %parallel_loop3A_443 = arith.constant 112 : index
      %parallel_loop3A_444 = tpu.vector_load %arg7[%parallel_loop3A_441, %parallel_loop3A_442, %parallel_loop3A_443] {strides = array<i32>} : memref<2x128x128xf32, #tpu.memory_space<vmem>>, vector<1x1x16xf32>,
      %parallel_loop3A_445 = vector.shape_cast %parallel_loop3A_444 : vector<1x1x16xf32> to vector<16xf32>
      %parallel_loop3A_446 = arith.constant 3 : i32
      %parallel_loop3A_447 = arith.index_cast %parallel_loop3A_446 : i32 to index
      %parallel_loop3A_448 = arith.index_cast %parallel_loop3A_326 : i32 to index
      %parallel_loop3A_449 = arith.constant 112 : index
      %parallel_loop3A_450 = tpu.vector_load %arg8[%parallel_loop3A_447, %parallel_loop3A_448, %parallel_loop3A_449] {strides = array<i32>} : memref<4x128x128xf32, #tpu.memory_space<vmem>>, vector<1x1x16xf32>,
      %parallel_loop3A_451 = vector.shape_cast %parallel_loop3A_450 : vector<1x1x16xf32> to vector<16xf32>
      %parallel_loop3A_452 = arith.subf %parallel_loop3A_445, %parallel_loop3A_451 : vector<16xf32>
      %parallel_loop3A_453 = arith.mulf %parallel_loop3A_452, %parallel_loop3A_452 : vector<16xf32>
      %parallel_loop3A_454 = arith.addf %parallel_loop3A_334, %parallel_loop3A_453 : vector<16xf32>
      scf.yield %parallel_loop3A_349, %parallel_loop3A_364, %parallel_loop3A_379, %parallel_loop3A_394, %parallel_loop3A_409, %parallel_loop3A_424, %parallel_loop3A_439, %parallel_loop3A_454 : vector<16xf32>, vector<16xf32>, vector<16xf32>, vector<16xf32>, vector<16xf32>, vector<16xf32>, vector<16xf32>, vector<16xf32>
    } {sc.loop_unroll_factor = 16 : i64, sc.parallel_access}
    %add3A_270 = arith.addf %parallel_loop3A_269#0, %parallel_loop3A_269#1 : vector<16xf32>
    %add3A_271 = arith.addf %add3A_270, %parallel_loop3A_269#2 : vector<16xf32>
    %add3A_272 = arith.addf %add3A_271, %parallel_loop3A_269#3 : vector<16xf32>
    %add3A_273 = arith.addf %add3A_272, %parallel_loop3A_269#4 : vector<16xf32>
    %add3A_274 = arith.addf %add3A_273, %parallel_loop3A_269#5 : vector<16xf32>
    %add3A_275 = arith.addf %add3A_274, %parallel_loop3A_269#6 : vector<16xf32>
    %add3A_276 = arith.addf %add3A_275, %parallel_loop3A_269#7 : vector<16xf32>
    %slice3A = vector.extract_strided_slice %add3A_276 {offsets = [0], sizes = [1], strides = [1]} : vector<16xf32> to vector<1xf32>
    %squeeze3A = vector.extract %slice3A[0] : f32 from vector<1xf32>
    %slice3A_277 = vector.extract_strided_slice %add3A_276 {offsets = [1], sizes = [1], strides = [1]} : vector<16xf32> to vector<1xf32>
    %squeeze3A_278 = vector.extract %slice3A_277[0] : f32 from vector<1xf32>
    %add3A_279 = arith.addf %squeeze3A, %squeeze3A_278 : f32
    %slice3A_280 = vector.extract_strided_slice %add3A_276 {offsets = [2], sizes = [1], strides = [1]} : vector<16xf32> to vector<1xf32>
    %squeeze3A_281 = vector.extract %slice3A_280[0] : f32 from vector<1xf32>
    %add3A_282 = arith.addf %add3A_279, %squeeze3A_281 : f32
    %slice3A_283 = vector.extract_strided_slice %add3A_276 {offsets = [3], sizes = [1], strides = [1]} : vector<16xf32> to vector<1xf32>
    %squeeze3A_284 = vector.extract %slice3A_283[0] : f32 from vector<1xf32>
    %add3A_285 = arith.addf %add3A_282, %squeeze3A_284 : f32
    %slice3A_286 = vector.extract_strided_slice %add3A_276 {offsets = [4], sizes = [1], strides = [1]} : vector<16xf32> to vector<1xf32>
    %squeeze3A_287 = vector.extract %slice3A_286[0] : f32 from vector<1xf32>
    %add3A_288 = arith.addf %add3A_285, %squeeze3A_287 : f32
    %slice3A_289 = vector.extract_strided_slice %add3A_276 {offsets = [5], sizes = [1], strides = [1]} : vector<16xf32> to vector<1xf32>
    %squeeze3A_290 = vector.extract %slice3A_289[0] : f32 from vector<1xf32>
    %add3A_291 = arith.addf %add3A_288, %squeeze3A_290 : f32
    %slice3A_292 = vector.extract_strided_slice %add3A_276 {offsets = [6], sizes = [1], strides = [1]} : vector<16xf32> to vector<1xf32>
    %squeeze3A_293 = vector.extract %slice3A_292[0] : f32 from vector<1xf32>
    %add3A_294 = arith.addf %add3A_291, %squeeze3A_293 : f32
    %slice3A_295 = vector.extract_strided_slice %add3A_276 {offsets = [7], sizes = [1], strides = [1]} : vector<16xf32> to vector<1xf32>
    %squeeze3A_296 = vector.extract %slice3A_295[0] : f32 from vector<1xf32>
    %add3A_297 = arith.addf %add3A_294, %squeeze3A_296 : f32
    %slice3A_298 = vector.extract_strided_slice %add3A_276 {offsets = [8], sizes = [1], strides = [1]} : vector<16xf32> to vector<1xf32>
    %squeeze3A_299 = vector.extract %slice3A_298[0] : f32 from vector<1xf32>
    %add3A_300 = arith.addf %add3A_297, %squeeze3A_299 : f32
    %slice3A_301 = vector.extract_strided_slice %add3A_276 {offsets = [9], sizes = [1], strides = [1]} : vector<16xf32> to vector<1xf32>
    %squeeze3A_302 = vector.extract %slice3A_301[0] : f32 from vector<1xf32>
    %add3A_303 = arith.addf %add3A_300, %squeeze3A_302 : f32
    %slice3A_304 = vector.extract_strided_slice %add3A_276 {offsets = [10], sizes = [1], strides = [1]} : vector<16xf32> to vector<1xf32>
    %squeeze3A_305 = vector.extract %slice3A_304[0] : f32 from vector<1xf32>
    %add3A_306 = arith.addf %add3A_303, %squeeze3A_305 : f32
    %slice3A_307 = vector.extract_strided_slice %add3A_276 {offsets = [11], sizes = [1], strides = [1]} : vector<16xf32> to vector<1xf32>
    %squeeze3A_308 = vector.extract %slice3A_307[0] : f32 from vector<1xf32>
    %add3A_309 = arith.addf %add3A_306, %squeeze3A_308 : f32
    %slice3A_310 = vector.extract_strided_slice %add3A_276 {offsets = [12], sizes = [1], strides = [1]} : vector<16xf32> to vector<1xf32>
    %squeeze3A_311 = vector.extract %slice3A_310[0] : f32 from vector<1xf32>
    %add3A_312 = arith.addf %add3A_309, %squeeze3A_311 : f32
    %slice3A_313 = vector.extract_strided_slice %add3A_276 {offsets = [13], sizes = [1], strides = [1]} : vector<16xf32> to vector<1xf32>
    %squeeze3A_314 = vector.extract %slice3A_313[0] : f32 from vector<1xf32>
    %add3A_315 = arith.addf %add3A_312, %squeeze3A_314 : f32
    %slice3A_316 = vector.extract_strided_slice %add3A_276 {offsets = [14], sizes = [1], strides = [1]} : vector<16xf32> to vector<1xf32>
    %squeeze3A_317 = vector.extract %slice3A_316[0] : f32 from vector<1xf32>
    %add3A_318 = arith.addf %add3A_315, %squeeze3A_317 : f32
    %slice3A_319 = vector.extract_strided_slice %add3A_276 {offsets = [15], sizes = [1], strides = [1]} : vector<16xf32> to vector<1xf32>
    %squeeze3A_320 = vector.extract %slice3A_319[0] : f32 from vector<1xf32>
    %add3A_321 = arith.addf %add3A_318, %squeeze3A_320 : f32
    %broadcast_in_dim3A_322 = vector.broadcast %add3A_321 : f32 to vector<16xf32>
    %swap3A = arith.constant 0 : index
    %swap3A_323 = tpu.vector_load %arg9[%swap3A] {strides = array<i32>} : memref<16xf32, #tpu.memory_space<vmem>>, vector<16xf32>,
    %swap3A_324 = vector.shape_cast %swap3A_323 : vector<16xf32> to vector<16xf32>
    %swap3A_325 = vector.shape_cast %broadcast_in_dim3A_322 : vector<16xf32> to vector<16xf32>
    tpu.vector_store %arg9[%swap3A], %swap3A_325 {strides = array<i32>} : memref<16xf32, #tpu.memory_space<vmem>>, vector<16xf32>,
    "tpu.region"() ({
      %run_scoped3A_326 = tpu.sem_alloc : memref<!tpu.dma_semaphore, #tpu.memory_space<semaphore_mem>>
      %dma_start3A_327 = arith.constant 0 : i32
      %dma_start3A_328 = tpu.memref_slice %arg5[%add3A, %dma_start3A_327] : memref<32x16xf32, #tpu.memory_space<hbm>> -> memref<1x16xf32, #tpu.memory_space<hbm>>
      %dma_start3A_329 = tpu.memref_squeeze %dma_start3A_328 : memref<1x16xf32, #tpu.memory_space<hbm>> -> memref<16xf32, #tpu.memory_space<hbm>>
      %dma_start3A_330 = arith.constant 0 : i32
      %dma_start3A_331 = tpu.memref_slice %arg5[%add3A, %dma_start3A_330] : memref<32x16xf32, #tpu.memory_space<hbm>> -> memref<1x16xf32, #tpu.memory_space<hbm>>
      %dma_start3A_332 = tpu.memref_squeeze %dma_start3A_331 : memref<1x16xf32, #tpu.memory_space<hbm>> -> memref<16xf32, #tpu.memory_space<hbm>>
      tpu.enqueue_dma source(%arg9 : memref<16xf32, #tpu.memory_space<vmem>>) target(%dma_start3A_332 : memref<16xf32, #tpu.memory_space<hbm>>) target_semaphore(%run_scoped3A_326 : memref<!tpu.dma_semaphore, #tpu.memory_space<semaphore_mem>>)
      %dma_wait3A_333 = arith.constant 0 : i32
      %dma_wait3A_334 = tpu.memref_slice %arg5[%add3A, %dma_wait3A_333] : memref<32x16xf32, #tpu.memory_space<hbm>> -> memref<1x16xf32, #tpu.memory_space<hbm>>
      %dma_wait3A_335 = tpu.memref_squeeze %dma_wait3A_334 : memref<1x16xf32, #tpu.memory_space<hbm>> -> memref<16xf32, #tpu.memory_space<hbm>>
      %dma_wait3A_336 = arith.constant 0 : i32
      %dma_wait3A_337 = tpu.memref_slice %arg5[%add3A, %dma_wait3A_336] : memref<32x16xf32, #tpu.memory_space<hbm>> -> memref<1x16xf32, #tpu.memory_space<hbm>>
      %dma_wait3A_338 = tpu.memref_squeeze %dma_wait3A_337 : memref<1x16xf32, #tpu.memory_space<hbm>> -> memref<16xf32, #tpu.memory_space<hbm>>
      tpu.wait_dma2 semaphore(%run_scoped3A_326 : memref<!tpu.dma_semaphore, #tpu.memory_space<semaphore_mem>>) src(%arg9 : memref<16xf32, #tpu.memory_space<vmem>>) dst(%dma_wait3A_338 : memref<16xf32, #tpu.memory_space<hbm>>)
      tpu.yield
    }) : () -> ()
    return
  }
}

</mosaic_0001>

<sc_bundles>
// kernel: kernel.3.cloned.1.call-start
scs
__scs_entry_jumppad:
0x0: {  	(pc) =	sbr.rel $0x88, $3  }
0x1: {  	(tag) =	ssettag $0x0;
	lr =	simm.s32 $0x1  }
0x2: {  	[smem:$0x3F9E] =	sst lr;
	_ =	strace $0xD0000000  }
0x3: {  	_ = 	snop  }
0x4: {  	_ = 	snop  }
0x5: {  	_ = 	snop  }
0x6: {  	_ = 	snop  }
0x7: {  	_ = 	snop  }
__scs_overlays_trampoline_lowered:
0x8: {  	[smem:$0x3FAD] =	sst s0  }
0x9: {  	[smem:$0x3FAE] =	sst s1  }
0xa: {  	[smem:$0x3FAF] =	sst s2  }
0xb: {  	[smem:$0x3FB0] =	sst s3  }
0xc: {  	[smem:$0x3FB1] =	sst s4  }
0xd: {  	[smem:$0x3FB2] =	sst s5  }
0xe: {  	[smem:$0x3FB3] =	sst s6  }
0xf: {  	[smem:$0x3FB4] =	sst s7  }
0x10: {  	[smem:$0x3FB5] =	sst s8  }
0x11: {  	[smem:$0x3FB6] =	sst s9;
	s0 =	simm.s32 @!p0 $0x0  }
0x12: {  	s1 =	sld [smem:$0x3F9C];
	s0 =	simm.s32 @p0 $0x1  }
0x13: {  	[smem:$0x3FB7] =	sst s0;
	s0 =	simm.s32 @!p1 $0x0  }
0x14: {  	s2 =	sld [smem:$0x3F9B];
	s0 =	simm.s32 @p1 $0x1  }
0x15: {  	[smem:$0x3FB8] =	sst s0;
	s0 =	simm.s32 @!p2 $0x0  }
0x16: {  	s3 =	sld [smem:$0x3FDB];
	s0 =	simm.s32 @p2 $0x1  }
0x17: {  	s4 =	simm.s32 $0x1BF5;
	[smem:$0x3FBA] =	sst s0  }
0x18: {  	s0 =	sld [smem:$0x3F9D];
	_ =	swait.ge [sflag:s4], $0x0  }
0x19: {  	s7 =	sld [smem:$0x3F9E]  }
0x1a: {  	s8 =	sadd.s32 $0xFFFFE003, lr  }
0x1b: {  	s9 =	sadd.s32 $0xFFFFFEF7, lr;
	s5 =	simm.s32 $0xFFFFFFFF;
	p2 =	slt.u32 s8, $0xFFFFF086  }
0x1c: {  	p1 =	slt.u32 s9, $0xF7A;
	s5 =	simm.s32 @!p2 $0x0  }
0x1d: {  	s5 =	simm.s32 @p1 $0x1;
	p0 =	seq.s32 s7, s2  }
0x1e: {  	s7 =	smul.u32 @!p0 $0xF7A, s2;
	p2 =	seq.s32 @!p0 s5, $0x0  }
0x1f: {  	s9 =	smul.u32 $0xF7A, s1;
	s8 =	simm.s32 @!p0 $0x1BF5;
	p2 =	por !p2, p0  }
0x20: {  	[sflag:s8] =	ssyncset.s32 @!p0 $0xFFFFF086;
	s6 =	sadd.s32 @!p0 s3, s7;
	s7 =	simm.s32 @!p0 $0x108  }
0x21: {  	s3 =	sadd.s32 s3, s9;
	s6 =	sadd.s32 @!p0 $0x88, s6;
	s7 =	simm.s32 @p2 $0x1082  }
0x22: {  	[simem:s7], [sflag:s8] =	dma.local @!p0 [hbm:s6], $0xF7A  }
0x23: {  	s9 =	sor.u32 $0xD0000000, s2;
	s6 =	simm.s32 $0x108;
	_ =	swait.ge @!p0 [sflag:s8], $0x0  }
0x24: {  	s3 =	sadd.s32 $0x88, s3;
	s6 =	simm.s32 @!p1 $0x1082;
	[sflag:s4] =	ssyncset.s32 $0xFFFFF086  }
0x25: {  	[simem:s6], [sflag:s4] =	dma.local [hbm:s3], $0xF7A  }
0x26: {  	[smem:$0x3F9E] =	sst s1;
	(tag) =	ssettag s2;
	_ =	strace s9  }
0x27: {  	s1 =	sld [smem:$0x3FAE]  }
0x28: {  	s2 =	sld [smem:$0x3FAF]  }
0x29: {  	s4 =	sld [smem:$0x3FB1]  }
0x2a: {  	p0 =	seq.s32 s5, $0x0;
	s5 =	sld [smem:$0x3FB2]  }
0x2b: {  	s6 =	sld [smem:$0x3FB3]  }
0x2c: {  	s7 =	sld [smem:$0x3FB4]  }
0x2d: {  	s3 =	simm.s32 $0x108;
	s8 =	sld [smem:$0x3FB5]  }
0x2e: {  	s3 =	simm.s32 @!p0 $0x1082;
	s9 =	sld [smem:$0x3FB6]  }
0x2f: {  	lr =	sadd.s32 s0, s3;
	s0 =	sld [smem:$0x3FAD]  }
0x30: {  	s3 =	sld [smem:$0x3FB0]  }
0x31: {  	[smem:$0x3FB9] =	sst s10  }
0x32: {  	s10 =	sld [smem:$0x3FB7];
	_ =	sdelay $0x3  }
0x33: {  	p0 =	seq.s32 s10, $0x1;
	s10 =	sld [smem:$0x3FB9];
	_ =	sdelay $0x3  }
0x34: {  	[smem:$0x3FB9] =	sst s10  }
0x35: {  	s10 =	sld [smem:$0x3FB8];
	_ =	sdelay $0x3  }
0x36: {  	p1 =	seq.s32 s10, $0x1;
	s10 =	sld [smem:$0x3FB9];
	_ =	sdelay $0x3  }
0x37: {  	[smem:$0x3FB9] =	sst s10  }
0x38: {  	s10 =	sld [smem:$0x3FBA]  }
0x39: {  	_ = 	snop;
	(pc) =	sbr.ind lr, $3  }
0x3a: {  	_ = 	snop  }
0x3b: {  	_ = 	snop  }
0x3c: {  	p2 =	seq.s32 s10, $0x1;
	s10 =	sld [smem:$0x3FB9]  }
0x3d: {  	_ =	shalt  }
0x3e: {  	_ =	shalt  }
0x3f: {  	_ =	shalt  }
0x40: {  	_ =	shalt  }
0x41: {  	_ =	shalt  }
0x42: {  	_ =	shalt  }
0x43: {  	_ =	shalt  }
0x44: {  	_ =	shalt  }
0x45: {  	_ =	shalt  }
0x46: {  	_ =	shalt  }
0x47: {  	_ =	shalt  }
0x48: {  	_ =	shalt  }
0x49: {  	_ =	shalt  }
0x4a: {  	_ =	shalt  }
0x4b: {  	_ =	shalt  }
0x4c: {  	_ =	shalt  }
0x4d: {  	_ =	shalt  }
0x4e: {  	_ =	shalt  }
0x4f: {  	_ =	shalt  }
0x50: {  	_ =	shalt  }
0x51: {  	_ =	shalt  }
0x52: {  	_ =	shalt  }
0x53: {  	_ =	shalt  }
0x54: {  	_ =	shalt  }
0x55: {  	_ =	shalt  }
0x56: {  	_ =	shalt  }
0x57: {  	_ =	shalt  }
0x58: {  	_ =	shalt  }
0x59: {  	_ =	shalt  }
0x5a: {  	_ =	shalt  }
0x5b: {  	_ =	shalt  }
0x5c: {  	_ =	shalt  }
0x5d: {  	_ =	shalt  }
0x5e: {  	_ =	shalt  }
0x5f: {  	_ =	shalt  }
0x60: {  	_ =	shalt  }
0x61: {  	_ =	shalt  }
0x62: {  	_ =	shalt  }
0x63: {  	_ =	shalt  }
0x64: {  	_ =	shalt  }
0x65: {  	_ =	shalt  }
0x66: {  	_ =	shalt  }
0x67: {  	_ =	shalt  }
0x68: {  	_ =	shalt  }
0x69: {  	_ =	shalt  }
0x6a: {  	_ =	shalt  }
0x6b: {  	_ =	shalt  }
0x6c: {  	_ =	shalt  }
0x6d: {  	_ =	shalt  }
0x6e: {  	_ =	shalt  }
0x6f: {  	_ =	shalt  }
0x70: {  	_ =	shalt  }
0x71: {  	_ =	shalt  }
0x72: {  	_ =	shalt  }
0x73: {  	_ =	shalt  }
0x74: {  	_ =	shalt  }
0x75: {  	_ =	shalt  }
0x76: {  	_ =	shalt  }
0x77: {  	_ =	shalt  }
0x78: {  	_ =	shalt  }
0x79: {  	_ =	shalt  }
0x7a: {  	_ =	shalt  }
0x7b: {  	_ =	shalt  }
0x7c: {  	_ =	shalt  }
0x7d: {  	_ =	shalt  }
0x7e: {  	_ =	shalt  }
0x7f: {  	_ =	shalt  }
0x80: {  	_ =	shalt  }
0x81: {  	_ =	shalt  }
0x82: {  	_ =	shalt  }
0x83: {  	_ =	shalt  }
0x84: {  	_ =	shalt  }
0x85: {  	_ =	shalt  }
0x86: {  	_ =	shalt  }
0x87: {  	_ =	shalt  }
.Lfunc_end0:
.L_simem_size_0:
called_computation_lowered:
.L_overlay_start_0:
0x88: {  	s2 =	sld [smem:$0x3FD9]  }
0x89: {  	s3 =	sld [smem:$0x3FFE];
	_ =	sdelay $0x1  }
0x8a: {  	s1 =	srdreg.scid  }
0x8b: {  	s0 =	sand.u32 $0x1, s1  }
0x8c: {  	s17 =	sshll.u32 s0, $0xA;
	s2 =	sadd.s32 s3, s2  }
0x8d: {  	s2 =	sadd.s32 s2, s17  }
0x8e: {  	[smem:$0x3FC5] =	sst s2  }
0x8f: {  	_ = 	snop  }
0x90: {  	s2 =	sld [smem:$0x3FC9]  }
0x91: {  	s18 =	sld [smem:$0x3FC8]  }
0x92: {  	s4 =	sld [smem:$0x3FC7];
	(tm) =	ssettm $0x1  }
0x93: {  	s5 =	sld [smem:$0x3FFB];
	_ =	sdelay $0x3  }
0x94: {  	_ =	strace s5  }
0x95: {  	s5 =	sld [smem:$0x3FFC];
	_ =	sdelay $0x3  }
0x96: {  	_ =	strace s5  }
0x97: {  	s5 =	sld [smem:$0x3FFD];
	_ =	sdelay $0x3  }
0x98: {  	_ =	strace s5  }
0x99: {  	_ =	strace $0x8FFFFFFF  }
0x9a: {  	s19 =	sld [smem:$0x3FDB];
	_ =	sdelay $0x1  }
0x9b: {  	s6 =	simm.s32 $_scs_section_size  }
0x9c: {  	s7 =	simm.s32 $_size__tile_overlayer_lowered;
	s8 =	simm.s32 $_tile_overlayer_lowered  }
0x9d: {  	s22 =	simm.s32 $0x1BFF;
	s21 =	sshll.u32 s8, $0x1;
	s5 =	sadd.s32 s6, s19  }
0x9e: {  	s9 =	simm.s32 $0x0;
	s20 =	sshll.u32 s7, $0x1;
	s7 =	sadd.s32 s21, s5  }
0x9f: {  	[timem:s9], [sflag:s22] =	dma.local [hbm:s7], s20  }
0xa0: {  	_ =	swait.ge [sflag:s22], s20  }
0xa1: {  	s6 =	ssub.s32 $0x0, s20;
	[sflag:s22] =	ssyncset.done $0x0  }
0xa2: {  	[sflag:s22] =	ssyncadd.s32 s6;
	_ =	sdelay $0x1  }
0xa3: {  	s23 =	simm.s32 $0x1B8B  }
0xa4: {  	_ =	swait.ge [sflag:s23], $0x1  }
0xa5: {  	[sflag:s23] =	ssyncset.done $0x0  }
0xa6: {  	s25 =	simm.s32 $0x1B8E;
	s24 =	sld [smem:$0x3FFE];
	[sflag:s23] =	ssyncadd.s32 $0xFFFFFFFF  }
0xa7: {  	s26 =	simm.s32 $execute0_lowered;
	[smem:$0x3FD2] =	sst s25  }
0xa8: {  	s7 =	sshll.u32 s26, $0x1;
	_ =	strace $0x80000046;
	[dreg:$0x1] =	wrdreg $0xFFFFFFFF  }
0xa9: {  	s28 =	simm.s32 $_size_execute0_lowered;
	s5 =	sadd.s32 s5, s7;
	[dreg:$0x0] =	wrdreg $0x0  }
0xaa: {  	s7 =	sshll.u32 s28, $0x1;
	[dreg:$0x2] =	wrdreg s5  }
0xab: {  	[dreg:$0x3] =	wrdreg s7  }
0xac: {  	[dreg:$0x4] =	wrdreg $0xC0  }
0xad: {  	_ =	task [dreg:s9], $0x5FFFF  }
0xae: {  	[dreg:$0x1] =	wrdreg $0xFFFFFFFF  }
0xaf: {  	[dreg:$0x0] =	wrdreg $0x60  }
0xb0: {  	[dreg:$0x2] =	wrdreg s2  }
0xb1: {  	[dreg:$0x3] =	wrdreg s18  }
0xb2: {  	[dreg:$0x4] =	wrdreg s4  }
0xb3: {  	[dreg:$0x5] =	wrdreg s24  }
0xb4: {  	[dreg:$0x6] =	wrdreg $0x9  }
0xb5: {  	_ =	task.clear_ibuf [dreg:s9], $0x7FFFF;
	_ =	strace $0x90000046  }
0xb6: {  	s29 =	simm.s32 $0x9;
	_ =	strace $0x80000048  }
0xb7: {  	_ =	swait.ge [sflag:s29], $0x1  }
0xb8: {  	[sflag:s29] =	ssyncadd.s32 $0xFFFFFFFF  }
0xb9: {  	_ =	strace $0x90000048  }
0xba: {  	_ =	sfence  }
0xbb: {  	s30 =	sld [smem:$0x0];
	_ =	sdelay $0x2  }
0xbc: {  	s31 =	sshll.u32 s1, $0xD;
	s1 =	sshrl.u32 s1, $0x2  }
0xbd: {  	s3 =	sand.u32 $0x4000, s31;
	s1 =	sadd.s32 s1, s30  }
0xbe: {  	s0 =	sor.u32 s3, s0;
	s1 =	sshll.u32 s1, $0x11  }
0xbf: {  	s0 =	sor.u32 s1, s0  }
0xc0: {  	s0 =	sadd.s32 $0x8F2B, s0  }
0xc1: {  	[sflag:s0] =	ssyncadd.remote.s32 $0x1  }
0xc2: {  	_ =	sfence.sel $0xFFFF  }
0xc3: {  	[dreg:$0x0] =	wrdreg $0xFFFFFFFF;
	(pc) =	sbr.abs _section_cstart, $3  }
0xc4: {  	[dreg:$0x1] =	wrdreg $0xFFFFFFFF  }
0xc5: {  	_ =	task.clear_ibuf [dreg:s9], $0x2FFFF;
	_ =	strace $0x9FFFFFFF  }
0xc6: {  	(tm) =	ssettm $0x7FFFFFFF  }
0xc7: {  	_ =	shalt  }
tec
execute0_lowered:
.L_overlay_start_1:
0x0: {  	(tag) =	ssettag $0x1  }
0x1: {  	s0 =	rddreg [dreg:$0x0]  }
0x2: {  	s4 =	rddreg [dreg:$0x1]  }
0x3: {  	s1 =	rddreg [dreg:$0x2]  }
0x4: {  	s9 =	rddreg [dreg:$0x3];
	s2 =	srdreg.scid;
	s3 =	simm.s32 $0x0  }
0x5: {  	s12 =	simm.s32 $0x200;
	s13 =	simm.s32 $0x7;
	s14 =	simm.s32 $0x80  }
0x6: {  	s15 =	simm.s32 $0x8200;
	s16 =	simm.s32 $0xC200;
	s17 =	simm.s32 $0x100  }
0x7: {  	s18 =	simm.s32 $0x10200;
	s19 =	simm.s32 $0x180;
	s20 =	simm.s32 $0x14200  }
0x8: {  	s21 =	simm.s32 $0x1;
	s22 =	simm.s32 $0x4200;
	s23 =	simm.s32 $0x3  }
0x9: {  	s24 =	simm.s32 $0x2;
	s28 =	simm.s32 $0x6;
	s29 =	simm.s32 $0x18200  }
0xa: {  	s30 =	simm.s32 $0x0;
	s5 =	sand.u32 $0x1, s2;
	s2 =	stileid.u32  }
0xb: {  	[smem:$0x7FF] =	sst s3;
	s6 =	sshll.u32 s5, $0x4;
	s5 =	ssub.s32 $0x2, s5  }
0xc: {  	_ =	strace $0x80000047;
	s8 =	sor.u32 s2, s6;
	s25 =	sshrl.u32 s5, $0x1  }
0xd: {  	s31 =	sshll.u32 s2, $0x4;
	s7 =	sshll.u32 s8, $0x6;
	s11 =	ssub.s32 s5, s25  }
0xe: {  	s26 =	sshll.u32 s8, $0xD;
	s10 =	sshll.u32 s8, $0x4;
	s25 =	simm.s32 $0x4  }
0xf: {  	s4 =	sadd.s32 s4, s7;
	s5 =	sadd.s32 s0, s26;
	s0 =	sand.u32 $0x70, s31  }
0x10: {  	s10 =	sand.u32 $0x180, s10;
	s11 =	smax.u32 s11, $0x1;
	s26 =	simm.s32 $0x5  }
0x11: {  	s6 =	sadd.s32 $0x10, s4;
	s7 =	sadd.s32 $0x800, s5;
	s0 =	sadd.s32 s9, s0  }
0x12: {  	s8 =	sadd.s32 $0x1000, s5;
	s9 =	sadd.s32 $0x1800, s5;
	s10 =	sadd.s32 s10, s0  }
.LBB2_1:
0x13: {  	[tilespmem:s12], [sflag:$0x1] =	stream.linear.gather [hbm4b:s5+s3], $0x4000, $0x38;
	[tilespmem:$0x18280] =	vst v63  }
0x14: {  	_ = 	snop  }
0x15: {  	[tilespmem:s3], [sflag:$0x7] =	stream.linear.gather [hbm4b:s4+s3], $0x80, $0x38;
	[tilespmem:$0x18280] =	vst v63  }
0x16: {  	_ =	swait.ge [sflag:s13], $0x80  }
0x17: {  	[sflag:s13] =	ssyncset.done $0x0  }
0x18: {  	[sflag:s13] =	ssyncadd.s32 $0xFFFFFF80  }
0x19: {  	[tilespmem:s15], [sflag:$0x3] =	stream.indirect.gather [hbm4b:s1+s14], $0x80, s3, s14, $0xb8;
	[tilespmem:$0x18280] =	vst v63  }
0x1a: {  	_ = 	snop  }
0x1b: {  	[tilespmem:s14], [sflag:$0x7] =	stream.linear.gather [hbm4b:s6+s3], $0x180, $0x38;
	[tilespmem:$0x18280] =	vst v63  }
0x1c: {  	_ =	swait.ge [sflag:s13], $0x180  }
0x1d: {  	[sflag:s13] =	ssyncset.done $0x0  }
0x1e: {  	[sflag:s13] =	ssyncadd.s32 $0xFFFFFE80  }
0x1f: {  	[tilespmem:s16], [sflag:$0x4] =	stream.indirect.gather [hbm4b:s1+s14], $0x80, s14, s14, $0xb8;
	[tilespmem:$0x18280] =	vst v63  }
0x20: {  	_ = 	snop  }
0x21: {  	[tilespmem:s18], [sflag:$0x5] =	stream.indirect.gather [hbm4b:s1+s14], $0x80, s17, s14, $0xb8;
	[tilespmem:$0x18280] =	vst v63  }
0x22: {  	_ = 	snop  }
0x23: {  	[tilespmem:s20], [sflag:$0x6] =	stream.indirect.gather [hbm4b:s1+s14], $0x80, s19, s14, $0xb8;
	[tilespmem:$0x18280] =	vst v63  }
0x24: {  	_ =	swait.ge [sflag:s21], $0x4000  }
0x25: {  	[sflag:s21] =	ssyncset.done $0x0  }
0x26: {  	[sflag:s21] =	ssyncadd.s32 $0xFFFFC000  }
0x27: {  	[tilespmem:s22], [sflag:$0x2] =	stream.linear.gather [hbm4b:s7+s3], $0x4000, $0x38;
	[tilespmem:$0x18280] =	vst v63  }
0x28: {  	_ =	swait.ge [sflag:s23], $0x4000  }
0x29: {  	[sflag:s23] =	ssyncset.done $0x0  }
0x2a: {  	s0 =	simm.s32 $0x0;
	[sflag:s23] =	ssyncadd.s32 $0xFFFFC000  }
0x2b: {  	v0 =	vld [tilespmem:s0+$0x270]  }
0x2c: {  	v1 =	vld [tilespmem:s0+$0x8270]  }
0x2d: {  	v2 =	vld [tilespmem:s0+$0x200]  }
0x2e: {  	v3 =	vld [tilespmem:s0+$0x8200]  }
0x2f: {  	v4 =	vld [tilespmem:s0+$0x210]  }
0x30: {  	v5 =	vld [tilespmem:s0+$0x8210]  }
0x31: {  	v6 =	vld [tilespmem:s0+$0x220]  }
0x32: {  	v7 =	vld [tilespmem:s0+$0x8220]  }
0x33: {  	v9 =	vld [tilespmem:s0+$0x230]  }
0x34: {  	v10 =	vld [tilespmem:s0+$0x8230];
	_ =	sdelay $0x2  }
0x35: {  	v14 =	vld [tilespmem:s0+$0x240];
	v0 =	vsub.f32 v0, v1;
	v1 =	vsub.f32 v2, v3  }
0x36: {  	v2 =	vsub.f32 v4, v5;
	v5 =	vld [tilespmem:s0+$0x8240];
	v3 =	vsub.f32 v6, v7  }
0x37: {  	v8 =	vld [tilespmem:s0+$0x250];
	v4 =	vimm.f32 $0.0e+00;
	v6 =	vsub.f32 v9, v10;
	v0 =	vmul.f32 v0, v0  }
0x38: {  	v11 =	vld [tilespmem:s0+$0x8250];
	v7 =	vimm.f32 $0.0e+00;
	v1 =	vmul.f32 v1, v1;
	v2 =	vmul.f32 v2, v2  }
0x39: {  	v12 =	vld [tilespmem:s0+$0x8260];
	v3 =	vmul.f32 v3, v3;
	v13 =	vmul.f32 v6, v6;
	v0 =	vadd.f32 v0, v4  }
0x3a: {  	s31 =	simm.s32 $0x80;
	v9 =	vld [tilespmem:s0+$0x260];
	v6 =	vimm.f32 $0.0e+00;
	v1 =	vadd.f32 v1, v4;
	v2 =	vadd.f32 v2, v4  }
0x3b: {  	v10 =	vld [tilespmem:s31+$0x270];
	s0 =	simm.s32 $0x400;
	v3 =	vadd.f32 v3, v4;
	v14 =	vsub.f32 v14, v5;
	v5 =	vimm.f32 $0.0e+00  }
.LBB2_2:
0x3c: {  	p0 =	sne.s32 s0, $0xFE00;
	v15 =	vld [tilespmem:s31+$0x8270]  }
0x3d: {  	v16 =	vld [tilespmem:s31+$0x200];
	v4 =	vadd.f32 v13, v4;
	v13 =	vmul.f32 v14, v14;
	v8 =	vsub.f32 v8, v11  }
0x3e: {  	v11 =	vld [tilespmem:s31+$0x8200]  }
0x3f: {  	v14 =	vld [tilespmem:s31+$0x210];
	v7 =	vadd.f32 v13, v7;
	v8 =	vmul.f32 v8, v8;
	v9 =	vsub.f32 v9, v12  }
0x40: {  	v12 =	vld [tilespmem:s31+$0x8210]  }
0x41: {  	v13 =	vld [tilespmem:s31+$0x220];
	v10 =	vsub.f32 v10, v15;
	v6 =	vadd.f32 v8, v6;
	v8 =	vmul.f32 v9, v9  }
0x42: {  	v9 =	vld [tilespmem:s31+$0x8220]  }
0x43: {  	v11 =	vsub.f32 v16, v11;
	v15 =	vld [tilespmem:s31+$0x230];
	v10 =	vmul.f32 v10, v10;
	v5 =	vadd.f32 v8, v5  }
0x44: {  	v16 =	vld [tilespmem:s31+$0x8230]  }
0x45: {  	v8 =	vmul.f32 v11, v11;
	v11 =	vsub.f32 v14, v12;
	v14 =	vld [tilespmem:s31+$0x240];
	v0 =	vadd.f32 v10, v0  }
0x46: {  	v17 =	vld [tilespmem:s31+$0x8240]  }
.Ltmp0:
0x47: {  	v1 =	vadd.f32 v8, v1;
	v10 =	vmul.f32 v11, v11;
	v9 =	vsub.f32 v13, v9;
	v8 =	vld [tilespmem:s31+$0x250];
	(pc) =	sbr.rel @p0 .LBB2_2-.Ltmp0, $4  }
0x48: {  	v11 =	vld [tilespmem:s31+$0x8250]  }
0x49: {  	v2 =	vadd.f32 v10, v2;
	v13 =	vmul.f32 v9, v9;
	v15 =	vsub.f32 v15, v16;
	v9 =	vld [tilespmem:s31+$0x260]  }
0x4a: {  	v12 =	vld [tilespmem:s31+$0x8260];
	s31 =	sshra.s32 s0, $0x2  }
0x4b: {  	s0 =	sadd.s32 $0x200, s0;
	v10 =	vld [tilespmem:s31+$0x270];
	v3 =	vadd.f32 v13, v3;
	v13 =	vmul.f32 v15, v15;
	v14 =	vsub.f32 v14, v17  }
0x4c: {  	v15 =	vld [tilespmem:s31+$0x8270]  }
0x4d: {  	v16 =	vld [tilespmem:s31+$0x200]  }
0x4e: {  	v17 =	vld [tilespmem:s31+$0x8200]  }
0x4f: {  	v18 =	vld [tilespmem:s31+$0x210]  }
0x50: {  	v19 =	vld [tilespmem:s31+$0x8210]  }
0x51: {  	v20 =	vld [tilespmem:s31+$0x220]  }
0x52: {  	v21 =	vld [tilespmem:s31+$0x8220]  }
0x53: {  	v22 =	vld [tilespmem:s31+$0x230]  }
0x54: {  	v23 =	vld [tilespmem:s31+$0x8230]  }
0x55: {  	v24 =	vld [tilespmem:s31+$0x240]  }
0x56: {  	v25 =	vld [tilespmem:s31+$0x8240]  }
0x57: {  	v26 =	vld [tilespmem:s31+$0x250]  }
0x58: {  	v27 =	vld [tilespmem:s31+$0x8250]  }
0x59: {  	v28 =	vld [tilespmem:s31+$0x260]  }
0x5a: {  	v29 =	vld [tilespmem:s31+$0x8260];
	_ =	swait.ge [sflag:s24], $0x4000  }
0x5b: {  	[sflag:s24] =	ssyncset.done $0x0  }
0x5c: {  	s0 =	simm.s32 $0x0;
	[sflag:s24] =	ssyncadd.s32 $0xFFFFC000  }
0x5d: {  	[tilespmem:s12], [sflag:$0x1] =	stream.linear.gather [hbm4b:s8+s0], $0x4000, $0x38;
	[tilespmem:$0x18280] =	vst v63  }
0x5e: {  	_ =	swait.ge [sflag:s25], $0x4000  }
0x5f: {  	v8 =	vsub.f32 v8, v11;
	[sflag:s25] =	ssyncset.done $0x0  }
0x60: {  	v11 =	vmul.f32 v14, v14;
	s0 =	simm.s32 $0x0;
	[sflag:s25] =	ssyncadd.s32 $0xFFFFC000  }
0x61: {  	v8 =	vmul.f32 v8, v8;
	v9 =	vsub.f32 v9, v12;
	v12 =	vld [tilespmem:s0+$0x4270]  }
0x62: {  	v4 =	vadd.f32 v13, v4;
	v7 =	vadd.f32 v11, v7;
	v11 =	vld [tilespmem:s0+$0xC270]  }
0x63: {  	v10 =	vsub.f32 v10, v15;
	v6 =	vadd.f32 v8, v6;
	v8 =	vmul.f32 v9, v9;
	v9 =	vld [tilespmem:s0+$0x4200]  }
0x64: {  	v13 =	vsub.f32 v16, v17;
	v14 =	vsub.f32 v18, v19;
	v15 =	vld [tilespmem:s0+$0xC200]  }
0x65: {  	v5 =	vadd.f32 v8, v5;
	v8 =	vmul.f32 v10, v10;
	v10 =	vsub.f32 v20, v21;
	v54 =	vld [tilespmem:s0+$0x4210]  }
0x66: {  	v55 =	vsub.f32 v22, v23;
	v13 =	vmul.f32 v13, v13;
	v14 =	vmul.f32 v14, v14;
	v56 =	vld [tilespmem:s0+$0xC210]  }
0x67: {  	v57 =	vadd.f32 v8, v0;
	v0 =	vmul.f32 v10, v10;
	v8 =	vsub.f32 v24, v25;
	v10 =	vld [tilespmem:s0+$0x4220]  }
0x68: {  	v13 =	vadd.f32 v13, v1;
	v14 =	vadd.f32 v14, v2;
	v1 =	vmul.f32 v55, v55;
	v2 =	vld [tilespmem:s0+$0xC220]  }
0x69: {  	v59 =	vld [tilespmem:s0+$0x4230];
	v58 =	vadd.f32 v0, v3;
	v3 =	vmul.f32 v8, v8;
	v8 =	vsub.f32 v26, v27  }
0x6a: {  	v60 =	vld [tilespmem:s0+$0xC230];
	v0 =	vadd.f32 v1, v4;
	v1 =	vsub.f32 v28, v29  }
0x6b: {  	v61 =	vld [tilespmem:s0+$0x4240];
	v4 =	vadd.f32 v3, v7;
	v3 =	vmul.f32 v8, v8;
	v8 =	vsub.f32 v12, v11  }
0x6c: {  	v9 =	vsub.f32 v9, v15;
	v15 =	vld [tilespmem:s0+$0xC240];
	v1 =	vmul.f32 v1, v1;
	v11 =	vsub.f32 v54, v56  }
0x6d: {  	v2 =	vsub.f32 v10, v2;
	v7 =	vadd.f32 v3, v6;
	v3 =	vmul.f32 v8, v8;
	v8 =	vld [tilespmem:s0+$0x4250]  }
0x6e: {  	v6 =	vadd.f32 v1, v5;
	v5 =	vmul.f32 v9, v9;
	v10 =	vmul.f32 v11, v11;
	v11 =	vld [tilespmem:s0+$0xC250]  }
0x6f: {  	v63 =	vsub.f32 v59, v60;
	v12 =	vld [tilespmem:s0+$0xC260];
	v62 =	vmul.f32 v2, v2;
	v1 =	vadd.f32 v3, v57  }
0x70: {  	s31 =	simm.s32 $0x80;
	v9 =	vld [tilespmem:s0+$0x4260];
	v2 =	vadd.f32 v5, v13;
	v3 =	vadd.f32 v10, v14  }
0x71: {  	s0 =	simm.s32 $0x400;
	v10 =	vld [tilespmem:s31+$0x4270];
	v13 =	vmul.f32 v63, v63;
	v14 =	vsub.f32 v61, v15;
	v5 =	vadd.f32 v62, v58  }
.LBB2_4:
0x72: {  	p0 =	sne.s32 s0, $0xFE00;
	v15 =	vld [tilespmem:s31+$0xC270]  }
0x73: {  	v16 =	vld [tilespmem:s31+$0x4200];
	v0 =	vadd.f32 v13, v0;
	v13 =	vmul.f32 v14, v14;
	v8 =	vsub.f32 v8, v11  }
0x74: {  	v11 =	vld [tilespmem:s31+$0xC200]  }
0x75: {  	v14 =	vld [tilespmem:s31+$0x4210];
	v4 =	vadd.f32 v13, v4;
	v8 =	vmul.f32 v8, v8;
	v9 =	vsub.f32 v9, v12  }
0x76: {  	v12 =	vld [tilespmem:s31+$0xC210]  }
0x77: {  	v13 =	vld [tilespmem:s31+$0x4220];
	v10 =	vsub.f32 v10, v15;
	v7 =	vadd.f32 v8, v7;
	v8 =	vmul.f32 v9, v9  }
0x78: {  	v9 =	vld [tilespmem:s31+$0xC220]  }
0x79: {  	v11 =	vsub.f32 v16, v11;
	v15 =	vld [tilespmem:s31+$0x4230];
	v10 =	vmul.f32 v10, v10;
	v6 =	vadd.f32 v8, v6  }
0x7a: {  	v16 =	vld [tilespmem:s31+$0xC230]  }
0x7b: {  	v8 =	vmul.f32 v11, v11;
	v11 =	vsub.f32 v14, v12;
	v14 =	vld [tilespmem:s31+$0x4240];
	v1 =	vadd.f32 v10, v1  }
0x7c: {  	v17 =	vld [tilespmem:s31+$0xC240]  }
.Ltmp1:
0x7d: {  	v2 =	vadd.f32 v8, v2;
	v10 =	vmul.f32 v11, v11;
	v9 =	vsub.f32 v13, v9;
	v8 =	vld [tilespmem:s31+$0x4250];
	(pc) =	sbr.rel @p0 .LBB2_4-.Ltmp1, $4  }
0x7e: {  	v11 =	vld [tilespmem:s31+$0xC250]  }
0x7f: {  	v3 =	vadd.f32 v10, v3;
	v13 =	vmul.f32 v9, v9;
	v15 =	vsub.f32 v15, v16;
	v9 =	vld [tilespmem:s31+$0x4260]  }
0x80: {  	v12 =	vld [tilespmem:s31+$0xC260];
	s31 =	sshra.s32 s0, $0x2  }
0x81: {  	s0 =	sadd.s32 $0x200, s0;
	v10 =	vld [tilespmem:s31+$0x4270];
	v5 =	vadd.f32 v13, v5;
	v13 =	vmul.f32 v15, v15;
	v14 =	vsub.f32 v14, v17  }
0x82: {  	v15 =	vld [tilespmem:s31+$0xC270]  }
0x83: {  	v16 =	vld [tilespmem:s31+$0x4200]  }
0x84: {  	v17 =	vld [tilespmem:s31+$0xC200]  }
0x85: {  	v18 =	vld [tilespmem:s31+$0x4210]  }
0x86: {  	v19 =	vld [tilespmem:s31+$0xC210]  }
0x87: {  	v20 =	vld [tilespmem:s31+$0x4220]  }
0x88: {  	v21 =	vld [tilespmem:s31+$0xC220]  }
0x89: {  	v22 =	vld [tilespmem:s31+$0x4230]  }
0x8a: {  	v23 =	vld [tilespmem:s31+$0xC230]  }
0x8b: {  	v24 =	vld [tilespmem:s31+$0x4240]  }
0x8c: {  	v25 =	vld [tilespmem:s31+$0xC240]  }
0x8d: {  	v26 =	vld [tilespmem:s31+$0x4250]  }
0x8e: {  	v27 =	vld [tilespmem:s31+$0xC250]  }
0x8f: {  	v28 =	vld [tilespmem:s31+$0x4260]  }
0x90: {  	v29 =	vld [tilespmem:s31+$0xC260];
	_ =	swait.ge [sflag:s21], $0x4000  }
0x91: {  	[sflag:s21] =	ssyncset.done $0x0  }
0x92: {  	s0 =	simm.s32 $0x0;
	[sflag:s21] =	ssyncadd.s32 $0xFFFFC000  }
0x93: {  	[tilespmem:s22], [sflag:$0x2] =	stream.linear.gather [hbm4b:s9+s0], $0x4000, $0x38;
	[tilespmem:$0x18280] =	vst v63  }
0x94: {  	_ =	swait.ge [sflag:s26], $0x4000  }
0x95: {  	v8 =	vsub.f32 v8, v11;
	[sflag:s26] =	ssyncset.done $0x0  }
0x96: {  	v11 =	vmul.f32 v14, v14;
	s0 =	simm.s32 $0x0;
	[sflag:s26] =	ssyncadd.s32 $0xFFFFC000  }
0x97: {  	v8 =	vmul.f32 v8, v8;
	v9 =	vsub.f32 v9, v12;
	v12 =	vld [tilespmem:s0+$0x270]  }
0x98: {  	v0 =	vadd.f32 v13, v0;
	v4 =	vadd.f32 v11, v4;
	v11 =	vld [tilespmem:s0+$0x10270]  }
0x99: {  	v10 =	vsub.f32 v10, v15;
	v7 =	vadd.f32 v8, v7;
	v8 =	vmul.f32 v9, v9;
	v9 =	vld [tilespmem:s0+$0x200]  }
0x9a: {  	v13 =	vsub.f32 v16, v17;
	v14 =	vsub.f32 v18, v19;
	v15 =	vld [tilespmem:s0+$0x10200]  }
0x9b: {  	v6 =	vadd.f32 v8, v6;
	v8 =	vmul.f32 v10, v10;
	v10 =	vsub.f32 v20, v21;
	v56 =	vld [tilespmem:s0+$0x210]  }
0x9c: {  	v57 =	vsub.f32 v22, v23;
	v13 =	vmul.f32 v13, v13;
	v14 =	vmul.f32 v14, v14;
	v58 =	vld [tilespmem:s0+$0x10210]  }
0x9d: {  	v59 =	vld [tilespmem:s0+$0x220];
	v1 =	vadd.f32 v8, v1;
	v8 =	vmul.f32 v10, v10;
	v10 =	vsub.f32 v24, v25  }
0x9e: {  	v2 =	vadd.f32 v13, v2;
	v3 =	vadd.f32 v14, v3;
	v13 =	vmul.f32 v57, v57;
	v14 =	vld [tilespmem:s0+$0x10220]  }
0x9f: {  	v60 =	vld [tilespmem:s0+$0x230];
	v5 =	vadd.f32 v8, v5;
	v8 =	vmul.f32 v10, v10;
	v10 =	vsub.f32 v26, v27  }
0xa0: {  	v61 =	vld [tilespmem:s0+$0x10230];
	v0 =	vadd.f32 v13, v0;
	v13 =	vsub.f32 v28, v29  }
0xa1: {  	v62 =	vld [tilespmem:s0+$0x240];
	v9 =	vsub.f32 v9, v15;
	v4 =	vadd.f32 v8, v4;
	v8 =	vmul.f32 v10, v10  }
0xa2: {  	v15 =	vld [tilespmem:s0+$0x10240];
	v10 =	vsub.f32 v12, v11;
	v11 =	vmul.f32 v13, v13;
	v12 =	vsub.f32 v56, v58  }
0xa3: {  	v13 =	vsub.f32 v59, v14;
	v14 =	vmul.f32 v9, v9;
	v7 =	vadd.f32 v8, v7;
	v8 =	vld [tilespmem:s0+$0x250]  }
0xa4: {  	v10 =	vmul.f32 v10, v10;
	v6 =	vadd.f32 v11, v6;
	v12 =	vmul.f32 v12, v12;
	v11 =	vld [tilespmem:s0+$0x10250]  }
0xa5: {  	v63 =	vsub.f32 v60, v61;
	v9 =	vld [tilespmem:s0+$0x260];
	v13 =	vmul.f32 v13, v13;
	v2 =	vadd.f32 v14, v2  }
0xa6: {  	s31 =	simm.s32 $0x80;
	v1 =	vadd.f32 v10, v1;
	v3 =	vadd.f32 v12, v3;
	v12 =	vld [tilespmem:s0+$0x10260]  }
0xa7: {  	v10 =	vld [tilespmem:s31+$0x270];
	s0 =	simm.s32 $0x400;
	v14 =	vsub.f32 v62, v15;
	v5 =	vadd.f32 v13, v5;
	v13 =	vmul.f32 v63, v63  }
.LBB2_6:
0xa8: {  	p0 =	sne.s32 s0, $0xFE00;
	v15 =	vld [tilespmem:s31+$0x10270]  }
0xa9: {  	v16 =	vld [tilespmem:s31+$0x200];
	v0 =	vadd.f32 v13, v0;
	v13 =	vmul.f32 v14, v14;
	v8 =	vsub.f32 v8, v11  }
0xaa: {  	v11 =	vld [tilespmem:s31+$0x10200]  }
0xab: {  	v14 =	vld [tilespmem:s31+$0x210];
	v4 =	vadd.f32 v13, v4;
	v8 =	vmul.f32 v8, v8;
	v9 =	vsub.f32 v9, v12  }
0xac: {  	v12 =	vld [tilespmem:s31+$0x10210]  }
0xad: {  	v13 =	vld [tilespmem:s31+$0x220];
	v10 =	vsub.f32 v10, v15;
	v7 =	vadd.f32 v8, v7;
	v8 =	vmul.f32 v9, v9  }
0xae: {  	v9 =	vld [tilespmem:s31+$0x10220]  }
0xaf: {  	v11 =	vsub.f32 v16, v11;
	v15 =	vld [tilespmem:s31+$0x230];
	v10 =	vmul.f32 v10, v10;
	v6 =	vadd.f32 v8, v6  }
0xb0: {  	v16 =	vld [tilespmem:s31+$0x10230]  }
0xb1: {  	v8 =	vmul.f32 v11, v11;
	v11 =	vsub.f32 v14, v12;
	v14 =	vld [tilespmem:s31+$0x240];
	v1 =	vadd.f32 v10, v1  }
0xb2: {  	v17 =	vld [tilespmem:s31+$0x10240]  }
.Ltmp2:
0xb3: {  	v2 =	vadd.f32 v8, v2;
	v10 =	vmul.f32 v11, v11;
	v9 =	vsub.f32 v13, v9;
	v8 =	vld [tilespmem:s31+$0x250];
	(pc) =	sbr.rel @p0 .LBB2_6-.Ltmp2, $4  }
0xb4: {  	v11 =	vld [tilespmem:s31+$0x10250]  }
0xb5: {  	v3 =	vadd.f32 v10, v3;
	v13 =	vmul.f32 v9, v9;
	v15 =	vsub.f32 v15, v16;
	v9 =	vld [tilespmem:s31+$0x260]  }
0xb6: {  	v12 =	vld [tilespmem:s31+$0x10260];
	s31 =	sshra.s32 s0, $0x2  }
0xb7: {  	s0 =	sadd.s32 $0x200, s0;
	v10 =	vld [tilespmem:s31+$0x270];
	v5 =	vadd.f32 v13, v5;
	v13 =	vmul.f32 v15, v15;
	v14 =	vsub.f32 v14, v17  }
0xb8: {  	v15 =	vld [tilespmem:s31+$0x10270]  }
0xb9: {  	v16 =	vld [tilespmem:s31+$0x200]  }
0xba: {  	v17 =	vld [tilespmem:s31+$0x10200]  }
0xbb: {  	v18 =	vld [tilespmem:s31+$0x210]  }
0xbc: {  	v19 =	vld [tilespmem:s31+$0x10210]  }
0xbd: {  	v20 =	vld [tilespmem:s31+$0x220]  }
0xbe: {  	v21 =	vld [tilespmem:s31+$0x10220]  }
0xbf: {  	v22 =	vld [tilespmem:s31+$0x230]  }
0xc0: {  	v23 =	vld [tilespmem:s31+$0x10230]  }
0xc1: {  	v24 =	vld [tilespmem:s31+$0x240]  }
0xc2: {  	v25 =	vld [tilespmem:s31+$0x10240]  }
0xc3: {  	v26 =	vld [tilespmem:s31+$0x250]  }
0xc4: {  	v27 =	vld [tilespmem:s31+$0x10250]  }
0xc5: {  	v28 =	vld [tilespmem:s31+$0x260]  }
0xc6: {  	v29 =	vld [tilespmem:s31+$0x10260];
	_ =	swait.ge [sflag:s24], $0x4000  }
0xc7: {  	[sflag:s24] =	ssyncset.done $0x0  }
0xc8: {  	[sflag:s24] =	ssyncadd.s32 $0xFFFFC000  }
0xc9: {  	v8 =	vsub.f32 v8, v11;
	_ =	swait.ge [sflag:s28], $0x4000  }
0xca: {  	v11 =	vmul.f32 v14, v14;
	[sflag:s28] =	ssyncset.done $0x0  }
0xcb: {  	s0 =	simm.s32 $0x0;
	v8 =	vmul.f32 v8, v8;
	v9 =	vsub.f32 v9, v12;
	[sflag:s28] =	ssyncadd.s32 $0xFFFFC000  }
0xcc: {  	v0 =	vadd.f32 v13, v0;
	v11 =	vadd.f32 v11, v4;
	v12 =	vld [tilespmem:s0+$0x4270]  }
0xcd: {  	v4 =	vsub.f32 v10, v15;
	v7 =	vadd.f32 v8, v7;
	v8 =	vmul.f32 v9, v9;
	v13 =	vld [tilespmem:s0+$0x14270]  }
0xce: {  	v10 =	vsub.f32 v16, v17;
	v14 =	vsub.f32 v18, v19;
	v9 =	vld [tilespmem:s0+$0x4200]  }
0xcf: {  	v15 =	vld [tilespmem:s0+$0x14200];
	v6 =	vadd.f32 v8, v6;
	v4 =	vmul.f32 v4, v4;
	v8 =	vsub.f32 v20, v21  }
0xd0: {  	v55 =	vsub.f32 v22, v23;
	v54 =	vld [tilespmem:s0+$0x4210];
	v10 =	vmul.f32 v10, v10  }
0xd1: {  	v56 =	vld [tilespmem:s0+$0x14210];
	v14 =	vmul.f32 v14, v14;
	v57 =	vadd.f32 v4, v1;
	v1 =	vmul.f32 v8, v8  }
0xd2: {  	v4 =	vsub.f32 v24, v25;
	v8 =	vld [tilespmem:s0+$0x4220];
	v58 =	vadd.f32 v10, v2;
	v2 =	vmul.f32 v55, v55  }
0xd3: {  	v59 =	vsub.f32 v26, v27;
	v14 =	vadd.f32 v14, v3;
	v10 =	vld [tilespmem:s0+$0x14220]  }
0xd4: {  	v60 =	vld [tilespmem:s0+$0x4230];
	v5 =	vadd.f32 v1, v5;
	v1 =	vmul.f32 v4, v4;
	v4 =	vadd.f32 v2, v0  }
0xd5: {  	v61 =	vld [tilespmem:s0+$0x14230];
	v0 =	vsub.f32 v28, v29;
	v9 =	vsub.f32 v9, v15  }
0xd6: {  	v15 =	vld [tilespmem:s0+$0x14240];
	v3 =	vadd.f32 v1, v11;
	v1 =	vmul.f32 v59, v59;
	v11 =	vsub.f32 v12, v13  }
0xd7: {  	v13 =	vld [tilespmem:s0+$0x4240];
	v0 =	vmul.f32 v0, v0;
	v12 =	vsub.f32 v54, v56  }
0xd8: {  	v8 =	vsub.f32 v8, v10;
	v10 =	vld [tilespmem:s0+$0x4250];
	v2 =	vadd.f32 v1, v7;
	v7 =	vmul.f32 v11, v11  }
0xd9: {  	v1 =	vadd.f32 v0, v6;
	v6 =	vmul.f32 v9, v9;
	v11 =	vmul.f32 v12, v12;
	v12 =	vld [tilespmem:s0+$0x14250]  }
0xda: {  	v63 =	vsub.f32 v60, v61;
	v9 =	vld [tilespmem:s0+$0x4260];
	v62 =	vmul.f32 v8, v8;
	v0 =	vadd.f32 v7, v57  }
0xdb: {  	s31 =	simm.s32 $0x80;
	v6 =	vadd.f32 v6, v58;
	v7 =	vadd.f32 v11, v14;
	v11 =	vld [tilespmem:s0+$0x14260]  }
0xdc: {  	v8 =	vld [tilespmem:s31+$0x4270];
	s0 =	simm.s32 $0x400;
	v14 =	vmul.f32 v63, v63;
	v5 =	vadd.f32 v62, v5;
	v13 =	vsub.f32 v13, v15  }
.LBB2_8:
0xdd: {  	p0 =	sne.s32 s0, $0xFE00;
	v15 =	vld [tilespmem:s31+$0x14270]  }
0xde: {  	v16 =	vld [tilespmem:s31+$0x4200];
	v4 =	vadd.f32 v14, v4;
	v13 =	vmul.f32 v13, v13;
	v10 =	vsub.f32 v10, v12  }
0xdf: {  	v12 =	vld [tilespmem:s31+$0x14200]  }
0xe0: {  	v14 =	vld [tilespmem:s31+$0x4210];
	v3 =	vadd.f32 v13, v3;
	v10 =	vmul.f32 v10, v10;
	v9 =	vsub.f32 v9, v11  }
0xe1: {  	v11 =	vld [tilespmem:s31+$0x14210]  }
0xe2: {  	v13 =	vld [tilespmem:s31+$0x4220];
	v8 =	vsub.f32 v8, v15;
	v2 =	vadd.f32 v10, v2;
	v9 =	vmul.f32 v9, v9  }
0xe3: {  	v10 =	vld [tilespmem:s31+$0x14220]  }
0xe4: {  	v12 =	vsub.f32 v16, v12;
	v15 =	vld [tilespmem:s31+$0x4230];
	v8 =	vmul.f32 v8, v8;
	v1 =	vadd.f32 v9, v1  }
0xe5: {  	v9 =	vld [tilespmem:s31+$0x14230]  }
0xe6: {  	v12 =	vmul.f32 v12, v12;
	v11 =	vsub.f32 v14, v11;
	v16 =	vld [tilespmem:s31+$0x4240];
	v0 =	vadd.f32 v8, v0  }
0xe7: {  	v17 =	vld [tilespmem:s31+$0x14240]  }
.Ltmp3:
0xe8: {  	v6 =	vadd.f32 v12, v6;
	v8 =	vmul.f32 v11, v11;
	v11 =	vsub.f32 v13, v10;
	v10 =	vld [tilespmem:s31+$0x4250];
	(pc) =	sbr.rel @p0 .LBB2_8-.Ltmp3, $4  }
0xe9: {  	v12 =	vld [tilespmem:s31+$0x14250]  }
0xea: {  	v7 =	vadd.f32 v8, v7;
	v13 =	vmul.f32 v11, v11;
	v14 =	vsub.f32 v15, v9;
	v9 =	vld [tilespmem:s31+$0x4260]  }
0xeb: {  	v11 =	vld [tilespmem:s31+$0x14260];
	s31 =	sshra.s32 s0, $0x2  }
0xec: {  	s0 =	sadd.s32 $0x200, s0;
	v8 =	vld [tilespmem:s31+$0x4270];
	v5 =	vadd.f32 v13, v5;
	v14 =	vmul.f32 v14, v14;
	v13 =	vsub.f32 v16, v17  }
0xed: {  	v15 =	vld [tilespmem:s31+$0x4200]  }
0xee: {  	v16 =	vld [tilespmem:s31+$0x14200]  }
0xef: {  	v17 =	vld [tilespmem:s31+$0x4210]  }
0xf0: {  	v18 =	vld [tilespmem:s31+$0x14210]  }
0xf1: {  	v19 =	vld [tilespmem:s31+$0x4220]  }
0xf2: {  	v20 =	vld [tilespmem:s31+$0x14220]  }
0xf3: {  	v21 =	vld [tilespmem:s31+$0x4230]  }
0xf4: {  	v22 =	vld [tilespmem:s31+$0x14230]  }
0xf5: {  	v23 =	vld [tilespmem:s31+$0x4240]  }
0xf6: {  	v43 =	vld [tilespmem:s31+$0x14240];
	v15 =	vsub.f32 v15, v16;
	v42 =	vsub.f32 v17, v18  }
0xf7: {  	v48 =	vld [tilespmem:s31+$0x4250];
	v4 =	vadd.f32 v14, v4  }
0xf8: {  	v50 =	vld [tilespmem:s31+$0x14250];
	v47 =	vsub.f32 v19, v20;
	v45 =	vmul.f32 v15, v15;
	v46 =	vmul.f32 v42, v42  }
0xf9: {  	v52 =	vld [tilespmem:s31+$0x4260];
	v10 =	vsub.f32 v10, v12;
	v44 =	vmul.f32 v13, v13;
	v49 =	vsub.f32 v21, v22  }
0xfa: {  	v54 =	vld [tilespmem:s31+$0x14260];
	v51 =	vmul.f32 v47, v47;
	v6 =	vadd.f32 v45, v6;
	v7 =	vadd.f32 v46, v7  }
0xfb: {  	v3 =	vadd.f32 v44, v3;
	v53 =	vsub.f32 v23, v43  }
0xfc: {  	v55 =	vld [tilespmem:s31+$0x14270];
	v12 =	vmul.f32 v49, v49;
	v5 =	vadd.f32 v51, v5;
	v6 =	vadd.f32 v7, v6  }
0xfd: {  	v9 =	vsub.f32 v9, v11;
	v10 =	vmul.f32 v10, v10;
	v56 =	vsub.f32 v48, v50  }
0xfe: {  	v11 =	vmul.f32 v53, v53;
	v4 =	vadd.f32 v12, v4;
	v5 =	vadd.f32 v5, v6  }
0xff: {  	v2 =	vadd.f32 v10, v2;
	v57 =	vmul.f32 v9, v9;
	v59 =	vsub.f32 v52, v54  }
0x100: {  	v58 =	vmul.f32 v56, v56;
	v3 =	vadd.f32 v11, v3;
	v4 =	vadd.f32 v4, v5  }
0x101: {  	v60 =	vsub.f32 v8, v55;
	v1 =	vadd.f32 v57, v1  }
0x102: {  	v61 =	vmul.f32 v59, v59;
	v2 =	vadd.f32 v58, v2;
	v3 =	vadd.f32 v3, v4;
	_ =	sdelay $0x1  }
0x103: {  	v62 =	vmul.f32 v60, v60;
	v1 =	vadd.f32 v61, v1;
	v2 =	vadd.f32 v2, v3;
	_ =	sdelay $0x1  }
0x104: {  	v0 =	vadd.f32 v62, v0;
	v1 =	vadd.f32 v1, v2;
	_ =	sdelay $0x1  }
0x105: {  	v0 =	vadd.f32 v0, v1;
	_ =	sdelay $0x1  }
0x106: {  	(v2sf) =	vpush v0, $0x0  }
0x107: {  	(v2sf) =	vpush v0, $0x1;
	_ =	sdelay $0x1  }
0x108: {  	(v2sf) =	vpush v0, $0x2;
	_ =	sdelay $0x1  }
0x109: {  	(v2sf) =	vpush v0, $0x3;
	_ =	sdelay $0x1  }
0x10a: {  	(v2sf) =	vpush v0, $0x4;
	_ =	sdelay $0x1  }
0x10b: {  	(v2sf) =	vpush v0, $0x5;
	_ =	sdelay $0x1  }
0x10c: {  	(v2sf) =	vpush v0, $0x6;
	_ =	sdelay $0x1  }
0x10d: {  	(v2sf) =	vpush v0, $0x7;
	_ =	sdelay $0x1  }
0x10e: {  	s0 =	spop (v2sf);
	(v2sf) =	vpush v0, $0x8  }
0x10f: {  	s31 =	spop (v2sf)  }
0x110: {  	(v2sf) =	vpush v0, $0x9;
	s0 =	sadd.f32 s31, s0  }
0x111: {  	s31 =	spop (v2sf)  }
0x112: {  	(v2sf) =	vpush v0, $0xA;
	s0 =	sadd.f32 s0, s31  }
0x113: {  	s31 =	spop (v2sf)  }
0x114: {  	(v2sf) =	vpush v0, $0xB;
	s0 =	sadd.f32 s0, s31  }
0x115: {  	s31 =	spop (v2sf)  }
0x116: {  	(v2sf) =	vpush v0, $0xC;
	s0 =	sadd.f32 s0, s31  }
0x117: {  	s31 =	spop (v2sf)  }
0x118: {  	(v2sf) =	vpush v0, $0xD;
	s0 =	sadd.f32 s0, s31  }
0x119: {  	s31 =	spop (v2sf)  }
0x11a: {  	(v2sf) =	vpush v0, $0xE;
	s0 =	sadd.f32 s0, s31  }
0x11b: {  	s31 =	spop (v2sf)  }
0x11c: {  	(v2sf) =	vpush v0, $0xF;
	s0 =	sadd.f32 s0, s31  }
0x11d: {  	s31 =	spop (v2sf)  }
0x11e: {  	s0 =	sadd.f32 s0, s31  }
0x11f: {  	s31 =	spop (v2sf)  }
0x120: {  	s0 =	sadd.f32 s0, s31  }
0x121: {  	s31 =	spop (v2sf)  }
0x122: {  	s0 =	sadd.f32 s0, s31  }
0x123: {  	s31 =	spop (v2sf)  }
0x124: {  	s0 =	sadd.f32 s0, s31  }
0x125: {  	s31 =	spop (v2sf)  }
0x126: {  	s0 =	sadd.f32 s0, s31  }
0x127: {  	s31 =	spop (v2sf)  }
0x128: {  	s0 =	sadd.f32 s0, s31  }
0x129: {  	s31 =	spop (v2sf)  }
0x12a: {  	s0 =	sadd.f32 s0, s31  }
0x12b: {  	s31 =	spop (v2sf)  }
0x12c: {  	s0 =	sadd.f32 s0, s31  }
0x12d: {  	s30 =	sadd.s32 $0x1, s30  }
0x12e: {  	p0 =	sne.s32 s30, s11;
	v63 =	vmov s0  }
.Ltmp4:
0x12f: {  	[tilespmem:$0x18200] =	vst v63;
	(pc) =	sbr.rel @p0 .LBB2_1-.Ltmp4, $4  }
0x130: {  	[hbm4b:s10+s3] =	stream.linear.scatter [tilespmem:s29], [sflag:$0x7], $0x80, $0x38;
	[tilespmem:$0x18280] =	vst v63  }
0x131: {  	_ =	swait.ge [sflag:s13], $0x80  }
0x132: {  	[sflag:s13] =	ssyncset.done $0x0  }
0x133: {  	[sflag:s13] =	ssyncadd.s32 $0xFFFFFF80  }
0x134: {  	_ =	sfence.sel $0x180000  }
0x135: {  	[bflag:$0x0] =	sbarrier.arrive $0xFFFF  }
0x136: {  	_ =	strace $0x90000047  }
0x137: {  	[bflag:$0x2] =	sbarrier.arrive $0xFFFF  }
0x138: {  	p0 =	sne.s32 s2, $0x0;
	s0 =	rddreg [dreg:$0x4]  }
0x139: {  	s0 =	sadd.s32 @!p0 $0x100000, s0  }
0x13a: {  	[sflag:s0] =	ssyncadd.tile.s32 @!p0 $0x1;
	_ =	shalt  }
.Lfunc_end2:
_tile_overlayer_lowered:
.L_overlay_start_2:
0x13b: {  	(tag) =	ssettag $0x2  }
0x13c: {  	s0 =	rddreg [dreg:$0x0];
	s2 =	stileid.u32  }
0x13d: {  	s1 =	rddreg [dreg:$0x1];
	p0 =	sne.s32 s2, $0x0  }
0x13e: {  	s3 =	rddreg [dreg:$0x2];
	[bflag:$0x3] =	sbarrier.arrive $0xFFFF;
	s2 =	simm.s32 @!p0 $0x1C07  }
0x13f: {  	[timem:s3], [sflag:s2] =	dma.local @!p0 [hbm:s0], s1  }
0x140: {  	s0 =	simm.s32 @!p0 $0x7  }
0x141: {  	_ =	swait.ge @!p0 [sflag:s0], s1  }
0x142: {  	s1 =	ssub.s32 @!p0 $0x0, s1;
	[sflag:s0] =	ssyncset.done @!p0 $0x0  }
0x143: {  	[sflag:s0] =	ssyncadd.s32 @!p0 s1  }
0x144: {  	[bflag:$0x3] =	sbarrier.arrive $0xFFFF  }
0x145: {  	_ =	shalt  }

</sc_bundles>
